<compile_context>
chip_gen: v7x
topology: tpu7x:2x2x1
jax: 0.10.2.dev20260603
libtpu: 0.0.44.dev20260713+nightly
codegen_flags: <defaults>
</compile_context>

<pallas_src>
import jax
import jax.numpy as jnp
from jax import lax
from jax.experimental import pallas as pl
from jax.experimental.pallas import tpu as pltpu
from jax.experimental.pallas import tpu_sc as plsc

NF = 40960
NH = 512
NHV = NH // 16
BATCH = 4096
M = 32
NC, NS = 2, 16
NW = NC * NS
RPW = BATCH // NW


def _body(ics_hbm, stm_hbm, ftw_hbm, bias_hbm, psqt_hbm, fcw_hbm,
          out_hbm,
          idxv, stmv, biasv, fcwv, outv,
          buf0, ps0, buf1, ps1, sem0, sem1):
    cid = lax.axis_index("c")
    sid = lax.axis_index("s")
    wid = sid * NC + cid
    base = wid * RPW

    pltpu.sync_copy(ics_hbm.at[pl.ds(base, RPW)], idxv)
    pltpu.sync_copy(stm_hbm.at[pl.ds(base, RPW)], stmv)
    pltpu.sync_copy(bias_hbm, biasv)
    pltpu.sync_copy(fcw_hbm, fcwv)

    slots = ((buf0, ps0, sem0), (buf1, ps1, sem1))
    lane0 = lax.iota(jnp.int32, 16) == 0
    ones = jnp.full((16,), 1.0, jnp.float32)

    def descs(r, slot):
        buf, ps, sem = slots[slot]
        return (pltpu.make_async_copy(ftw_hbm.at[idxv.at[r]], buf, sem),
                pltpu.make_async_copy(psqt_hbm.at[idxv.at[r]], ps, sem))

    def issue(r, slot):
        for d in descs(r, slot):
            d.start()

    def drain(r, slot):
        for d in descs(r, slot):
            d.wait()

    def compute(r, slot):
        buf, ps, _ = slots[slot]
        s = stmv[r][0]

        def col_body(col, carry):
            ca, cb = carry
            o = col * 16
            vw = buf[0, pl.ds(o, 16)]
            vb = buf[M, pl.ds(o, 16)]
            for j in range(1, M):
                vw = vw + buf[j, pl.ds(o, 16)]
                vb = vb + buf[M + j, pl.ds(o, 16)]
            b16 = biasv[pl.ds(o, 16)]
            vw = vw + b16
            vb = vb + b16
            x1 = (1.0 - s) * vw + s * vb
            x2 = s * vw + (1.0 - s) * vb
            x1 = jnp.clip(x1, 0.0, 1.0)
            x2 = jnp.clip(x2, 0.0, 1.0)
            ca = ca + (x1 * x1) * fcwv[pl.ds(o, 16)]
            cb = cb + (x2 * x2) * fcwv[pl.ds(NH + o, 16)]
            return ca, cb

        z = jnp.zeros((16,), jnp.float32)
        ca, cb = lax.fori_loop(0, NHV, col_body, (z, z))
        pg = (ps[pl.ds(0, 16)] + ps[pl.ds(16, 16)]
              - ps[pl.ds(32, 16)] - ps[pl.ds(48, 16)])
        res = jnp.sum(ca) + jnp.sum(cb) + jnp.sum(pg) * (0.5 - s)
        idx16 = jnp.full((16,), r, jnp.int32)
        plsc.store_scatter(outv, [idx16], ones * res, mask=lane0)

    issue(0, 0)

    def row_pair(i, carry):
        r0 = i * 2
        issue(r0 + 1, 1)
        drain(r0, 0)
        compute(r0, 0)

        @pl.when(i < RPW // 2 - 1)
        def _():
            issue(r0 + 2, 0)

        drain(r0 + 1, 1)
        compute(r0 + 1, 1)
        return carry

    lax.fori_loop(0, RPW // 2, row_pair, 0)
    pltpu.sync_copy(outv, out_hbm.at[pl.ds(base, RPW)])


@jax.jit
def _run(wft_ics, bft_ics, stm, ft_weight, ft_bias, psqt, fc_w, fc_b):
    mesh = plsc.VectorSubcoreMesh(core_axis_name="c", subcore_axis_name="s",
                                  num_cores=NC, num_subcores=NS)
    f = pl.kernel(
        _body,
        out_type=jax.ShapeDtypeStruct((BATCH,), jnp.float32),
        mesh=mesh,
        compiler_params=pltpu.CompilerParams(needs_layout_passes=False),
        scratch_types=[
            pltpu.VMEM((RPW, 2 * M), jnp.int32),
            pltpu.VMEM((RPW, 16), jnp.float32),
            pltpu.VMEM((NH,), jnp.float32),
            pltpu.VMEM((2 * NH,), jnp.float32),
            pltpu.VMEM((RPW,), jnp.float32),
            pltpu.VMEM((2 * M, NH), jnp.float32),
            pltpu.VMEM((2 * M,), jnp.float32),
            pltpu.VMEM((2 * M, NH), jnp.float32),
            pltpu.VMEM((2 * M,), jnp.float32),
            pltpu.SemaphoreType.DMA,
            pltpu.SemaphoreType.DMA,
        ],
    )
    ics = jnp.concatenate((wft_ics, bft_ics), axis=1)
    stm16 = jnp.broadcast_to(stm, (BATCH, 16))
    out = f(ics, stm16, ft_weight, ft_bias, psqt, fc_w.reshape(2 * NH))
    return out[:, None] + fc_b


def kernel(wft_ics, bft_ics, stm, ft_weight, ft_bias, psqt, fc_w, fc_b):
    return _run(wft_ics, bft_ics, stm, ft_weight, ft_bias, psqt, fc_w, fc_b)

# --- scband reference (transcript-rebuilt; emitter-appended) ---
"""Pipeline reference for scband-model-5909875000396 (READ-ONLY COPY).

The authoritative reference and input builder live on the scoring server;
editing this copy changes nothing except your own understanding.
"""

import jax, jax.numpy as jnp
import numpy as np

N_FEATURES = 40960
N_HIDDEN = 512
B = 4096
M = 32
S_A = 255


def setup_inputs(seed: int = 0) -> dict:
    key = jax.random.key(seed)
    ks = jax.random.split(key, 8)
    wft_ics = jax.random.randint(ks[0], (B, M), 0, N_FEATURES, dtype=jnp.int32)
    bft_ics = jax.random.randint(ks[1], (B, M), 0, N_FEATURES, dtype=jnp.int32)
    stm = jnp.round(jax.random.uniform(ks[2], (B, 1), dtype=jnp.float32))
    ft_weight = jax.random.normal(ks[3], (N_FEATURES, N_HIDDEN), dtype=jnp.float32) * 0.01
    ft_bias = jnp.zeros((N_HIDDEN,), dtype=jnp.float32)
    # psqt values emulate get_psqt_vals(): signed piece values scaled by S_A
    psqt = jax.random.uniform(ks[4], (N_FEATURES,), dtype=jnp.float32, minval=-1025.0 / S_A, maxval=1025.0 / S_A)
    fc_w = jax.random.normal(ks[5], (1, 2 * N_HIDDEN), dtype=jnp.float32) * 0.01
    fc_b = jnp.zeros((1,), dtype=jnp.float32)
    return {"wft_ics": wft_ics, "bft_ics": bft_ics, "stm": stm,
            "ft_weight": ft_weight, "ft_bias": ft_bias, "psqt": psqt,
            "fc_w": fc_w, "fc_b": fc_b}


def reference(wft_ics, bft_ics, stm, ft_weight, ft_bias, psqt, fc_w, fc_b):
    def ft(ics):
        mask = (ics >= 0)
        safe = jnp.where(mask, ics, 0)
        emb = jnp.take(ft_weight, safe, axis=0) * mask[..., None].astype(ft_weight.dtype)
        fts = emb.sum(axis=1) + ft_bias
        ps = (jnp.take(psqt, safe) * mask.astype(psqt.dtype)).sum(axis=1, keepdims=True)
        return fts, ps

    wfts, wpsqt = ft(wft_ics)
    bfts, bpsqt = ft(bft_ics)
    x = (1 - stm) * jnp.concatenate((wfts, bfts), axis=-1)
    x = x + stm * jnp.concatenate((bfts, wfts), axis=-1)
    x = jnp.clip(x, 0.0, 1.0) ** 2 @ fc_w.T + fc_b
    return x + (wpsqt - bpsqt) * (0.5 - stm)

if __name__ == "__main__":
    import jax
    _d = setup_inputs()
    print(jax.jit(kernel)(*tuple(_d.values())))

</pallas_src>

<mosaic_0001>
#map = affine_map<(d0, d1) -> (0, 0)>
#map1 = affine_map<(d0, d1) -> (0)>
module attributes {stable_mosaic.version = 14 : i64} {
  func.func @_body(%arg0: i32, %arg1: i32, %arg2: memref<4096x64xi32, #tpu.memory_space<hbm>>, %arg3: memref<4096x16xf32, #tpu.memory_space<hbm>>, %arg4: memref<40960x512xf32, #tpu.memory_space<hbm>>, %arg5: memref<512xf32, #tpu.memory_space<hbm>>, %arg6: memref<40960xf32, #tpu.memory_space<hbm>>, %arg7: memref<1024xf32, #tpu.memory_space<hbm>>, %arg8: memref<4096xf32, #tpu.memory_space<hbm>>, %arg9: memref<128x64xi32, #tpu.memory_space<vmem>>, %arg10: memref<128x16xf32, #tpu.memory_space<vmem>>, %arg11: memref<512xf32, #tpu.memory_space<vmem>>, %arg12: memref<1024xf32, #tpu.memory_space<vmem>>, %arg13: memref<128xf32, #tpu.memory_space<vmem>>, %arg14: memref<64x512xf32, #tpu.memory_space<vmem>>, %arg15: memref<64xf32, #tpu.memory_space<vmem>>, %arg16: memref<64x512xf32, #tpu.memory_space<vmem>>, %arg17: memref<64xf32, #tpu.memory_space<vmem>>, %arg18: memref<!tpu.dma_semaphore, #tpu.memory_space<semaphore_mem>>, %arg19: memref<!tpu.dma_semaphore, #tpu.memory_space<semaphore_mem>>) attributes {dimension_semantics = [#tpu.dimension_semantics<core_parallel>, #tpu.dimension_semantics<subcore_parallel>], iteration_bounds = array<i64: 2, 16>, scalar_prefetch = 0 : i64, scratch_operands = 11 : i64, tpu.core_type = #tpu.core_type<sc_vector_subcore>, window_params = [{transform_indices = #map}, {transform_indices = #map}, {transform_indices = #map}, {transform_indices = #map1}, {transform_indices = #map1}, {transform_indices = #map1}, {transform_indices = #map1}]} {
    %mul3A = arith.constant 2 : i32
    %mul3A_0 = arith.muli %arg1, %mul3A : i32
    %add3A = arith.addi %mul3A_0, %arg0 : i32
    %mul3A_1 = arith.constant 128 : i32
    %mul3A_2 = arith.muli %add3A, %mul3A_1 : i32
    "tpu.region"() ({
      %run_scoped3A = tpu.sem_alloc : memref<!tpu.dma_semaphore, #tpu.memory_space<semaphore_mem>>
      %dma_start3A_23 = arith.constant 0 : i32
      %dma_start3A_24 = tpu.memref_slice %arg2[%mul3A_2, %dma_start3A_23] : memref<4096x64xi32, #tpu.memory_space<hbm>> -> memref<128x64xi32, #tpu.memory_space<hbm>>
      %dma_start3A_25 = arith.constant 0 : i32
      %dma_start3A_26 = tpu.memref_slice %arg2[%mul3A_2, %dma_start3A_25] : memref<4096x64xi32, #tpu.memory_space<hbm>> -> memref<128x64xi32, #tpu.memory_space<hbm>>
      tpu.enqueue_dma source(%dma_start3A_26 : memref<128x64xi32, #tpu.memory_space<hbm>>) target(%arg9 : memref<128x64xi32, #tpu.memory_space<vmem>>) target_semaphore(%run_scoped3A : memref<!tpu.dma_semaphore, #tpu.memory_space<semaphore_mem>>)
      %dma_wait3A = arith.constant 0 : i32
      %dma_wait3A_27 = tpu.memref_slice %arg2[%mul3A_2, %dma_wait3A] : memref<4096x64xi32, #tpu.memory_space<hbm>> -> memref<128x64xi32, #tpu.memory_space<hbm>>
      %dma_wait3A_28 = arith.constant 0 : i32
      %dma_wait3A_29 = tpu.memref_slice %arg2[%mul3A_2, %dma_wait3A_28] : memref<4096x64xi32, #tpu.memory_space<hbm>> -> memref<128x64xi32, #tpu.memory_space<hbm>>
      tpu.wait_dma2 semaphore(%run_scoped3A : memref<!tpu.dma_semaphore, #tpu.memory_space<semaphore_mem>>) src(%dma_wait3A_29 : memref<128x64xi32, #tpu.memory_space<hbm>>) dst(%arg9 : memref<128x64xi32, #tpu.memory_space<vmem>>)
      tpu.yield
    }) : () -> ()
    "tpu.region"() ({
      %run_scoped3A = tpu.sem_alloc : memref<!tpu.dma_semaphore, #tpu.memory_space<semaphore_mem>>
      %dma_start3A_23 = arith.constant 0 : i32
      %dma_start3A_24 = tpu.memref_slice %arg3[%mul3A_2, %dma_start3A_23] : memref<4096x16xf32, #tpu.memory_space<hbm>> -> memref<128x16xf32, #tpu.memory_space<hbm>>
      %dma_start3A_25 = arith.constant 0 : i32
      %dma_start3A_26 = tpu.memref_slice %arg3[%mul3A_2, %dma_start3A_25] : memref<4096x16xf32, #tpu.memory_space<hbm>> -> memref<128x16xf32, #tpu.memory_space<hbm>>
      tpu.enqueue_dma source(%dma_start3A_26 : memref<128x16xf32, #tpu.memory_space<hbm>>) target(%arg10 : memref<128x16xf32, #tpu.memory_space<vmem>>) target_semaphore(%run_scoped3A : memref<!tpu.dma_semaphore, #tpu.memory_space<semaphore_mem>>)
      %dma_wait3A = arith.constant 0 : i32
      %dma_wait3A_27 = tpu.memref_slice %arg3[%mul3A_2, %dma_wait3A] : memref<4096x16xf32, #tpu.memory_space<hbm>> -> memref<128x16xf32, #tpu.memory_space<hbm>>
      %dma_wait3A_28 = arith.constant 0 : i32
      %dma_wait3A_29 = tpu.memref_slice %arg3[%mul3A_2, %dma_wait3A_28] : memref<4096x16xf32, #tpu.memory_space<hbm>> -> memref<128x16xf32, #tpu.memory_space<hbm>>
      tpu.wait_dma2 semaphore(%run_scoped3A : memref<!tpu.dma_semaphore, #tpu.memory_space<semaphore_mem>>) src(%dma_wait3A_29 : memref<128x16xf32, #tpu.memory_space<hbm>>) dst(%arg10 : memref<128x16xf32, #tpu.memory_space<vmem>>)
      tpu.yield
    }) : () -> ()
    "tpu.region"() ({
      %run_scoped3A = tpu.sem_alloc : memref<!tpu.dma_semaphore, #tpu.memory_space<semaphore_mem>>
      tpu.enqueue_dma source(%arg5 : memref<512xf32, #tpu.memory_space<hbm>>) target(%arg11 : memref<512xf32, #tpu.memory_space<vmem>>) target_semaphore(%run_scoped3A : memref<!tpu.dma_semaphore, #tpu.memory_space<semaphore_mem>>)
      tpu.wait_dma2 semaphore(%run_scoped3A : memref<!tpu.dma_semaphore, #tpu.memory_space<semaphore_mem>>) src(%arg5 : memref<512xf32, #tpu.memory_space<hbm>>) dst(%arg11 : memref<512xf32, #tpu.memory_space<vmem>>)
      tpu.yield
    }) : () -> ()
    "tpu.region"() ({
      %run_scoped3A = tpu.sem_alloc : memref<!tpu.dma_semaphore, #tpu.memory_space<semaphore_mem>>
      tpu.enqueue_dma source(%arg7 : memref<1024xf32, #tpu.memory_space<hbm>>) target(%arg12 : memref<1024xf32, #tpu.memory_space<vmem>>) target_semaphore(%run_scoped3A : memref<!tpu.dma_semaphore, #tpu.memory_space<semaphore_mem>>)
      tpu.wait_dma2 semaphore(%run_scoped3A : memref<!tpu.dma_semaphore, #tpu.memory_space<semaphore_mem>>) src(%arg7 : memref<1024xf32, #tpu.memory_space<hbm>>) dst(%arg12 : memref<1024xf32, #tpu.memory_space<vmem>>)
      tpu.yield
    }) : () -> ()
    %iota3A = tpu.iota {dimensions = array<i32: 0>} : vector<16xi32>
    %eq3A = arith.constant 0 : i32
    %eq3A_3 = vector.broadcast %eq3A : i32 to vector<16xi32>
    %eq3A_4 = arith.cmpi eq, %iota3A, %eq3A_3 : vector<16xi32>
    %broadcast_in_dim3A = arith.constant 1.000000e+00 : f32
    %broadcast_in_dim3A_5 = vector.broadcast %broadcast_in_dim3A : f32 to vector<16xf32>
    %dma_start3A = arith.constant 0 : i32
    %dma_start3A_6 = arith.constant 0 : i32
    %dma_start3A_7 = tpu.memref_slice %arg9[%dma_start3A, %dma_start3A_6] : memref<128x64xi32, #tpu.memory_space<vmem>> -> memref<1x64xi32, #tpu.memory_space<vmem>>
    %dma_start3A_8 = tpu.memref_squeeze %dma_start3A_7 : memref<1x64xi32, #tpu.memory_space<vmem>> -> memref<64xi32, #tpu.memory_space<vmem>>
    %dma_start3A_9 = arith.constant 0 : i32
    %dma_start3A_10 = arith.constant 0 : i32
    %dma_start3A_11 = tpu.memref_slice %arg4[%dma_start3A_9, %dma_start3A_10] : memref<40960x512xf32, #tpu.memory_space<hbm>> -> memref<40960x512xf32, #tpu.memory_space<hbm>>
    tpu.enqueue_indirect_dma source(%dma_start3A_11 : memref<40960x512xf32, #tpu.memory_space<hbm>>) target(%arg14 : memref<64x512xf32, #tpu.memory_space<vmem>>) offsets(%dma_start3A_8 : memref<64xi32, #tpu.memory_space<vmem>>) semaphore(%arg18 : memref<!tpu.dma_semaphore, #tpu.memory_space<semaphore_mem>>)
    %dma_start3A_12 = arith.constant 0 : i32
    %dma_start3A_13 = arith.constant 0 : i32
    %dma_start3A_14 = tpu.memref_slice %arg9[%dma_start3A_12, %dma_start3A_13] : memref<128x64xi32, #tpu.memory_space<vmem>> -> memref<1x64xi32, #tpu.memory_space<vmem>>
    %dma_start3A_15 = tpu.memref_squeeze %dma_start3A_14 : memref<1x64xi32, #tpu.memory_space<vmem>> -> memref<64xi32, #tpu.memory_space<vmem>>
    %dma_start3A_16 = arith.constant 0 : i32
    %dma_start3A_17 = tpu.memref_slice %arg6[%dma_start3A_16] : memref<40960xf32, #tpu.memory_space<hbm>> -> memref<40960xf32, #tpu.memory_space<hbm>>
    tpu.enqueue_indirect_dma source(%dma_start3A_17 : memref<40960xf32, #tpu.memory_space<hbm>>) target(%arg15 : memref<64xf32, #tpu.memory_space<vmem>>) offsets(%dma_start3A_15 : memref<64xi32, #tpu.memory_space<vmem>>) semaphore(%arg18 : memref<!tpu.dma_semaphore, #tpu.memory_space<semaphore_mem>>)
    %scan3A = arith.constant 0 : i32
    %scan3A_18 = arith.constant 0 : i32
    %scan3A_19 = arith.constant 64 : i32
    %scan3A_20 = arith.addi %scan3A_18, %scan3A_19 : i32
    %scan3A_21 = arith.constant 1 : i32
    scf.for %scan3A_23 = %scan3A_18 to %scan3A_20 step %scan3A_21  : i32 {
      %mul3A_24 = arith.constant 2 : i32
      %mul3A_25 = arith.muli %scan3A_23, %mul3A_24 : i32
      %add3A_26 = arith.constant 1 : i32
      %add3A_27 = arith.addi %mul3A_25, %add3A_26 : i32
      %dma_start3A_28 = arith.constant 0 : i32
      %dma_start3A_29 = tpu.memref_slice %arg9[%add3A_27, %dma_start3A_28] : memref<128x64xi32, #tpu.memory_space<vmem>> -> memref<1x64xi32, #tpu.memory_space<vmem>>
      %dma_start3A_30 = tpu.memref_squeeze %dma_start3A_29 : memref<1x64xi32, #tpu.memory_space<vmem>> -> memref<64xi32, #tpu.memory_space<vmem>>
      %dma_start3A_31 = arith.constant 0 : i32
      %dma_start3A_32 = arith.constant 0 : i32
      %dma_start3A_33 = tpu.memref_slice %arg4[%dma_start3A_31, %dma_start3A_32] : memref<40960x512xf32, #tpu.memory_space<hbm>> -> memref<40960x512xf32, #tpu.memory_space<hbm>>
      tpu.enqueue_indirect_dma source(%dma_start3A_33 : memref<40960x512xf32, #tpu.memory_space<hbm>>) target(%arg16 : memref<64x512xf32, #tpu.memory_space<vmem>>) offsets(%dma_start3A_30 : memref<64xi32, #tpu.memory_space<vmem>>) semaphore(%arg19 : memref<!tpu.dma_semaphore, #tpu.memory_space<semaphore_mem>>)
      %dma_start3A_34 = arith.constant 0 : i32
      %dma_start3A_35 = tpu.memref_slice %arg9[%add3A_27, %dma_start3A_34] : memref<128x64xi32, #tpu.memory_space<vmem>> -> memref<1x64xi32, #tpu.memory_space<vmem>>
      %dma_start3A_36 = tpu.memref_squeeze %dma_start3A_35 : memref<1x64xi32, #tpu.memory_space<vmem>> -> memref<64xi32, #tpu.memory_space<vmem>>
      %dma_start3A_37 = arith.constant 0 : i32
      %dma_start3A_38 = tpu.memref_slice %arg6[%dma_start3A_37] : memref<40960xf32, #tpu.memory_space<hbm>> -> memref<40960xf32, #tpu.memory_space<hbm>>
      tpu.enqueue_indirect_dma source(%dma_start3A_38 : memref<40960xf32, #tpu.memory_space<hbm>>) target(%arg17 : memref<64xf32, #tpu.memory_space<vmem>>) offsets(%dma_start3A_36 : memref<64xi32, #tpu.memory_space<vmem>>) semaphore(%arg19 : memref<!tpu.dma_semaphore, #tpu.memory_space<semaphore_mem>>)
      %dma_wait3A = arith.constant 0 : i32
      %dma_wait3A_39 = tpu.memref_slice %arg9[%mul3A_25, %dma_wait3A] : memref<128x64xi32, #tpu.memory_space<vmem>> -> memref<1x64xi32, #tpu.memory_space<vmem>>
      %dma_wait3A_40 = tpu.memref_squeeze %dma_wait3A_39 : memref<1x64xi32, #tpu.memory_space<vmem>> -> memref<64xi32, #tpu.memory_space<vmem>>
      %dma_wait3A_41 = arith.constant 0 : i32
      %dma_wait3A_42 = arith.constant 0 : i32
      %dma_wait3A_43 = tpu.memref_slice %arg4[%dma_wait3A_41, %dma_wait3A_42] : memref<40960x512xf32, #tpu.memory_space<hbm>> -> memref<40960x512xf32, #tpu.memory_space<hbm>>
      tpu.wait_indirect_dma semaphore(%arg18 : memref<!tpu.dma_semaphore, #tpu.memory_space<semaphore_mem>>) src(%dma_wait3A_43 : memref<40960x512xf32, #tpu.memory_space<hbm>>) dst(%arg14 : memref<64x512xf32, #tpu.memory_space<vmem>>)
      %dma_wait3A_44 = arith.constant 0 : i32
      %dma_wait3A_45 = tpu.memref_slice %arg9[%mul3A_25, %dma_wait3A_44] : memref<128x64xi32, #tpu.memory_space<vmem>> -> memref<1x64xi32, #tpu.memory_space<vmem>>
      %dma_wait3A_46 = tpu.memref_squeeze %dma_wait3A_45 : memref<1x64xi32, #tpu.memory_space<vmem>> -> memref<64xi32, #tpu.memory_space<vmem>>
      %dma_wait3A_47 = arith.constant 0 : i32
      %dma_wait3A_48 = tpu.memref_slice %arg6[%dma_wait3A_47] : memref<40960xf32, #tpu.memory_space<hbm>> -> memref<40960xf32, #tpu.memory_space<hbm>>
      tpu.wait_indirect_dma semaphore(%arg18 : memref<!tpu.dma_semaphore, #tpu.memory_space<semaphore_mem>>) src(%dma_wait3A_48 : memref<40960xf32, #tpu.memory_space<hbm>>) dst(%arg15 : memref<64xf32, #tpu.memory_space<vmem>>)
      %get3A = arith.index_cast %mul3A_25 : i32 to index
      %get3A_49 = arith.constant 0 : index
      %get3A_50 = tpu.vector_load %arg10[%get3A, %get3A_49] {strides = array<i32>} : memref<128x16xf32, #tpu.memory_space<vmem>>, vector<16xf32>,
      %slice3A = vector.extract_strided_slice %get3A_50 {offsets = [0], sizes = [1], strides = [1]} : vector<16xf32> to vector<1xf32>
      %squeeze3A = vector.extract %slice3A[0] : f32 from vector<1xf32>
      %broadcast_in_dim3A_51 = arith.constant 0.000000e+00 : f32
      %broadcast_in_dim3A_52 = vector.broadcast %broadcast_in_dim3A_51 : f32 to vector<16xf32>
      %scan3A_53 = arith.constant 0 : i32
      %scan3A_54 = arith.constant 32 : i32
      %scan3A_55 = arith.addi %scan3A_53, %scan3A_54 : i32
      %scan3A_56 = arith.constant 1 : i32
      %scan3A_57:2 = scf.for %scan3A_149 = %scan3A_53 to %scan3A_55 step %scan3A_56 iter_args(%scan3A_150 = %broadcast_in_dim3A_52, %scan3A_151 = %broadcast_in_dim3A_52) -> (vector<16xf32>, vector<16xf32>)  : i32 {
        %mul3A_152 = arith.constant 16 : i32
        %mul3A_153 = arith.muli %scan3A_149, %mul3A_152 : i32
        %get3A_154 = arith.constant 0 : i32
        %get3A_155 = arith.index_cast %get3A_154 : i32 to index
        %get3A_156 = arith.index_cast %mul3A_153 : i32 to index
        %get3A_157 = tpu.vector_load %arg14[%get3A_155, %get3A_156] {strides = array<i32>} : memref<64x512xf32, #tpu.memory_space<vmem>>, vector<16xf32>,
        %get3A_158 = arith.constant 32 : i32
        %get3A_159 = arith.index_cast %get3A_158 : i32 to index
        %get3A_160 = arith.index_cast %mul3A_153 : i32 to index
        %get3A_161 = tpu.vector_load %arg14[%get3A_159, %get3A_160] {strides = array<i32>} : memref<64x512xf32, #tpu.memory_space<vmem>>, vector<16xf32>,
        %get3A_162 = arith.constant 1 : i32
        %get3A_163 = arith.index_cast %get3A_162 : i32 to index
        %get3A_164 = arith.index_cast %mul3A_153 : i32 to index
        %get3A_165 = tpu.vector_load %arg14[%get3A_163, %get3A_164] {strides = array<i32>} : memref<64x512xf32, #tpu.memory_space<vmem>>, vector<16xf32>,
        %add3A_166 = arith.addf %get3A_157, %get3A_165 : vector<16xf32>
        %get3A_167 = arith.constant 33 : i32
        %get3A_168 = arith.index_cast %get3A_167 : i32 to index
        %get3A_169 = arith.index_cast %mul3A_153 : i32 to index
        %get3A_170 = tpu.vector_load %arg14[%get3A_168, %get3A_169] {strides = array<i32>} : memref<64x512xf32, #tpu.memory_space<vmem>>, vector<16xf32>,
        %add3A_171 = arith.addf %get3A_161, %get3A_170 : vector<16xf32>
        %get3A_172 = arith.constant 2 : i32
        %get3A_173 = arith.index_cast %get3A_172 : i32 to index
        %get3A_174 = arith.index_cast %mul3A_153 : i32 to index
        %get3A_175 = tpu.vector_load %arg14[%get3A_173, %get3A_174] {strides = array<i32>} : memref<64x512xf32, #tpu.memory_space<vmem>>, vector<16xf32>,
        %add3A_176 = arith.addf %add3A_166, %get3A_175 : vector<16xf32>
        %get3A_177 = arith.constant 34 : i32
        %get3A_178 = arith.index_cast %get3A_177 : i32 to index
        %get3A_179 = arith.index_cast %mul3A_153 : i32 to index
        %get3A_180 = tpu.vector_load %arg14[%get3A_178, %get3A_179] {strides = array<i32>} : memref<64x512xf32, #tpu.memory_space<vmem>>, vector<16xf32>,
        %add3A_181 = arith.addf %add3A_171, %get3A_180 : vector<16xf32>
        %get3A_182 = arith.constant 3 : i32
        %get3A_183 = arith.index_cast %get3A_182 : i32 to index
        %get3A_184 = arith.index_cast %mul3A_153 : i32 to index
        %get3A_185 = tpu.vector_load %arg14[%get3A_183, %get3A_184] {strides = array<i32>} : memref<64x512xf32, #tpu.memory_space<vmem>>, vector<16xf32>,
        %add3A_186 = arith.addf %add3A_176, %get3A_185 : vector<16xf32>
        %get3A_187 = arith.constant 35 : i32
        %get3A_188 = arith.index_cast %get3A_187 : i32 to index
        %get3A_189 = arith.index_cast %mul3A_153 : i32 to index
        %get3A_190 = tpu.vector_load %arg14[%get3A_188, %get3A_189] {strides = array<i32>} : memref<64x512xf32, #tpu.memory_space<vmem>>, vector<16xf32>,
        %add3A_191 = arith.addf %add3A_181, %get3A_190 : vector<16xf32>
        %get3A_192 = arith.constant 4 : i32
        %get3A_193 = arith.index_cast %get3A_192 : i32 to index
        %get3A_194 = arith.index_cast %mul3A_153 : i32 to index
        %get3A_195 = tpu.vector_load %arg14[%get3A_193, %get3A_194] {strides = array<i32>} : memref<64x512xf32, #tpu.memory_space<vmem>>, vector<16xf32>,
        %add3A_196 = arith.addf %add3A_186, %get3A_195 : vector<16xf32>
        %get3A_197 = arith.constant 36 : i32
        %get3A_198 = arith.index_cast %get3A_197 : i32 to index
        %get3A_199 = arith.index_cast %mul3A_153 : i32 to index
        %get3A_200 = tpu.vector_load %arg14[%get3A_198, %get3A_199] {strides = array<i32>} : memref<64x512xf32, #tpu.memory_space<vmem>>, vector<16xf32>,
        %add3A_201 = arith.addf %add3A_191, %get3A_200 : vector<16xf32>
        %get3A_202 = arith.constant 5 : i32
        %get3A_203 = arith.index_cast %get3A_202 : i32 to index
        %get3A_204 = arith.index_cast %mul3A_153 : i32 to index
        %get3A_205 = tpu.vector_load %arg14[%get3A_203, %get3A_204] {strides = array<i32>} : memref<64x512xf32, #tpu.memory_space<vmem>>, vector<16xf32>,
        %add3A_206 = arith.addf %add3A_196, %get3A_205 : vector<16xf32>
        %get3A_207 = arith.constant 37 : i32
        %get3A_208 = arith.index_cast %get3A_207 : i32 to index
        %get3A_209 = arith.index_cast %mul3A_153 : i32 to index
        %get3A_210 = tpu.vector_load %arg14[%get3A_208, %get3A_209] {strides = array<i32>} : memref<64x512xf32, #tpu.memory_space<vmem>>, vector<16xf32>,
        %add3A_211 = arith.addf %add3A_201, %get3A_210 : vector<16xf32>
        %get3A_212 = arith.constant 6 : i32
        %get3A_213 = arith.index_cast %get3A_212 : i32 to index
        %get3A_214 = arith.index_cast %mul3A_153 : i32 to index
        %get3A_215 = tpu.vector_load %arg14[%get3A_213, %get3A_214] {strides = array<i32>} : memref<64x512xf32, #tpu.memory_space<vmem>>, vector<16xf32>,
        %add3A_216 = arith.addf %add3A_206, %get3A_215 : vector<16xf32>
        %get3A_217 = arith.constant 38 : i32
        %get3A_218 = arith.index_cast %get3A_217 : i32 to index
        %get3A_219 = arith.index_cast %mul3A_153 : i32 to index
        %get3A_220 = tpu.vector_load %arg14[%get3A_218, %get3A_219] {strides = array<i32>} : memref<64x512xf32, #tpu.memory_space<vmem>>, vector<16xf32>,
        %add3A_221 = arith.addf %add3A_211, %get3A_220 : vector<16xf32>
        %get3A_222 = arith.constant 7 : i32
        %get3A_223 = arith.index_cast %get3A_222 : i32 to index
        %get3A_224 = arith.index_cast %mul3A_153 : i32 to index
        %get3A_225 = tpu.vector_load %arg14[%get3A_223, %get3A_224] {strides = array<i32>} : memref<64x512xf32, #tpu.memory_space<vmem>>, vector<16xf32>,
        %add3A_226 = arith.addf %add3A_216, %get3A_225 : vector<16xf32>
        %get3A_227 = arith.constant 39 : i32
        %get3A_228 = arith.index_cast %get3A_227 : i32 to index
        %get3A_229 = arith.index_cast %mul3A_153 : i32 to index
        %get3A_230 = tpu.vector_load %arg14[%get3A_228, %get3A_229] {strides = array<i32>} : memref<64x512xf32, #tpu.memory_space<vmem>>, vector<16xf32>,
        %add3A_231 = arith.addf %add3A_221, %get3A_230 : vector<16xf32>
        %get3A_232 = arith.constant 8 : i32
        %get3A_233 = arith.index_cast %get3A_232 : i32 to index
        %get3A_234 = arith.index_cast %mul3A_153 : i32 to index
        %get3A_235 = tpu.vector_load %arg14[%get3A_233, %get3A_234] {strides = array<i32>} : memref<64x512xf32, #tpu.memory_space<vmem>>, vector<16xf32>,
        %add3A_236 = arith.addf %add3A_226, %get3A_235 : vector<16xf32>
        %get3A_237 = arith.constant 40 : i32
        %get3A_238 = arith.index_cast %get3A_237 : i32 to index
        %get3A_239 = arith.index_cast %mul3A_153 : i32 to index
        %get3A_240 = tpu.vector_load %arg14[%get3A_238, %get3A_239] {strides = array<i32>} : memref<64x512xf32, #tpu.memory_space<vmem>>, vector<16xf32>,
        %add3A_241 = arith.addf %add3A_231, %get3A_240 : vector<16xf32>
        %get3A_242 = arith.constant 9 : i32
        %get3A_243 = arith.index_cast %get3A_242 : i32 to index
        %get3A_244 = arith.index_cast %mul3A_153 : i32 to index
        %get3A_245 = tpu.vector_load %arg14[%get3A_243, %get3A_244] {strides = array<i32>} : memref<64x512xf32, #tpu.memory_space<vmem>>, vector<16xf32>,
        %add3A_246 = arith.addf %add3A_236, %get3A_245 : vector<16xf32>
        %get3A_247 = arith.constant 41 : i32
        %get3A_248 = arith.index_cast %get3A_247 : i32 to index
        %get3A_249 = arith.index_cast %mul3A_153 : i32 to index
        %get3A_250 = tpu.vector_load %arg14[%get3A_248, %get3A_249] {strides = array<i32>} : memref<64x512xf32, #tpu.memory_space<vmem>>, vector<16xf32>,
        %add3A_251 = arith.addf %add3A_241, %get3A_250 : vector<16xf32>
        %get3A_252 = arith.constant 10 : i32
        %get3A_253 = arith.index_cast %get3A_252 : i32 to index
        %get3A_254 = arith.index_cast %mul3A_153 : i32 to index
        %get3A_255 = tpu.vector_load %arg14[%get3A_253, %get3A_254] {strides = array<i32>} : memref<64x512xf32, #tpu.memory_space<vmem>>, vector<16xf32>,
        %add3A_256 = arith.addf %add3A_246, %get3A_255 : vector<16xf32>
        %get3A_257 = arith.constant 42 : i32
        %get3A_258 = arith.index_cast %get3A_257 : i32 to index
        %get3A_259 = arith.index_cast %mul3A_153 : i32 to index
        %get3A_260 = tpu.vector_load %arg14[%get3A_258, %get3A_259] {strides = array<i32>} : memref<64x512xf32, #tpu.memory_space<vmem>>, vector<16xf32>,
        %add3A_261 = arith.addf %add3A_251, %get3A_260 : vector<16xf32>
        %get3A_262 = arith.constant 11 : i32
        %get3A_263 = arith.index_cast %get3A_262 : i32 to index
        %get3A_264 = arith.index_cast %mul3A_153 : i32 to index
        %get3A_265 = tpu.vector_load %arg14[%get3A_263, %get3A_264] {strides = array<i32>} : memref<64x512xf32, #tpu.memory_space<vmem>>, vector<16xf32>,
        %add3A_266 = arith.addf %add3A_256, %get3A_265 : vector<16xf32>
        %get3A_267 = arith.constant 43 : i32
        %get3A_268 = arith.index_cast %get3A_267 : i32 to index
        %get3A_269 = arith.index_cast %mul3A_153 : i32 to index
        %get3A_270 = tpu.vector_load %arg14[%get3A_268, %get3A_269] {strides = array<i32>} : memref<64x512xf32, #tpu.memory_space<vmem>>, vector<16xf32>,
        %add3A_271 = arith.addf %add3A_261, %get3A_270 : vector<16xf32>
        %get3A_272 = arith.constant 12 : i32
        %get3A_273 = arith.index_cast %get3A_272 : i32 to index
        %get3A_274 = arith.index_cast %mul3A_153 : i32 to index
        %get3A_275 = tpu.vector_load %arg14[%get3A_273, %get3A_274] {strides = array<i32>} : memref<64x512xf32, #tpu.memory_space<vmem>>, vector<16xf32>,
        %add3A_276 = arith.addf %add3A_266, %get3A_275 : vector<16xf32>
        %get3A_277 = arith.constant 44 : i32
        %get3A_278 = arith.index_cast %get3A_277 : i32 to index
        %get3A_279 = arith.index_cast %mul3A_153 : i32 to index
        %get3A_280 = tpu.vector_load %arg14[%get3A_278, %get3A_279] {strides = array<i32>} : memref<64x512xf32, #tpu.memory_space<vmem>>, vector<16xf32>,
        %add3A_281 = arith.addf %add3A_271, %get3A_280 : vector<16xf32>
        %get3A_282 = arith.constant 13 : i32
        %get3A_283 = arith.index_cast %get3A_282 : i32 to index
        %get3A_284 = arith.index_cast %mul3A_153 : i32 to index
        %get3A_285 = tpu.vector_load %arg14[%get3A_283, %get3A_284] {strides = array<i32>} : memref<64x512xf32, #tpu.memory_space<vmem>>, vector<16xf32>,
        %add3A_286 = arith.addf %add3A_276, %get3A_285 : vector<16xf32>
        %get3A_287 = arith.constant 45 : i32
        %get3A_288 = arith.index_cast %get3A_287 : i32 to index
        %get3A_289 = arith.index_cast %mul3A_153 : i32 to index
        %get3A_290 = tpu.vector_load %arg14[%get3A_288, %get3A_289] {strides = array<i32>} : memref<64x512xf32, #tpu.memory_space<vmem>>, vector<16xf32>,
        %add3A_291 = arith.addf %add3A_281, %get3A_290 : vector<16xf32>
        %get3A_292 = arith.constant 14 : i32
        %get3A_293 = arith.index_cast %get3A_292 : i32 to index
        %get3A_294 = arith.index_cast %mul3A_153 : i32 to index
        %get3A_295 = tpu.vector_load %arg14[%get3A_293, %get3A_294] {strides = array<i32>} : memref<64x512xf32, #tpu.memory_space<vmem>>, vector<16xf32>,
        %add3A_296 = arith.addf %add3A_286, %get3A_295 : vector<16xf32>
        %get3A_297 = arith.constant 46 : i32
        %get3A_298 = arith.index_cast %get3A_297 : i32 to index
        %get3A_299 = arith.index_cast %mul3A_153 : i32 to index
        %get3A_300 = tpu.vector_load %arg14[%get3A_298, %get3A_299] {strides = array<i32>} : memref<64x512xf32, #tpu.memory_space<vmem>>, vector<16xf32>,
        %add3A_301 = arith.addf %add3A_291, %get3A_300 : vector<16xf32>
        %get3A_302 = arith.constant 15 : i32
        %get3A_303 = arith.index_cast %get3A_302 : i32 to index
        %get3A_304 = arith.index_cast %mul3A_153 : i32 to index
        %get3A_305 = tpu.vector_load %arg14[%get3A_303, %get3A_304] {strides = array<i32>} : memref<64x512xf32, #tpu.memory_space<vmem>>, vector<16xf32>,
        %add3A_306 = arith.addf %add3A_296, %get3A_305 : vector<16xf32>
        %get3A_307 = arith.constant 47 : i32
        %get3A_308 = arith.index_cast %get3A_307 : i32 to index
        %get3A_309 = arith.index_cast %mul3A_153 : i32 to index
        %get3A_310 = tpu.vector_load %arg14[%get3A_308, %get3A_309] {strides = array<i32>} : memref<64x512xf32, #tpu.memory_space<vmem>>, vector<16xf32>,
        %add3A_311 = arith.addf %add3A_301, %get3A_310 : vector<16xf32>
        %get3A_312 = arith.constant 16 : i32
        %get3A_313 = arith.index_cast %get3A_312 : i32 to index
        %get3A_314 = arith.index_cast %mul3A_153 : i32 to index
        %get3A_315 = tpu.vector_load %arg14[%get3A_313, %get3A_314] {strides = array<i32>} : memref<64x512xf32, #tpu.memory_space<vmem>>, vector<16xf32>,
        %add3A_316 = arith.addf %add3A_306, %get3A_315 : vector<16xf32>
        %get3A_317 = arith.constant 48 : i32
        %get3A_318 = arith.index_cast %get3A_317 : i32 to index
        %get3A_319 = arith.index_cast %mul3A_153 : i32 to index
        %get3A_320 = tpu.vector_load %arg14[%get3A_318, %get3A_319] {strides = array<i32>} : memref<64x512xf32, #tpu.memory_space<vmem>>, vector<16xf32>,
        %add3A_321 = arith.addf %add3A_311, %get3A_320 : vector<16xf32>
        %get3A_322 = arith.constant 17 : i32
        %get3A_323 = arith.index_cast %get3A_322 : i32 to index
        %get3A_324 = arith.index_cast %mul3A_153 : i32 to index
        %get3A_325 = tpu.vector_load %arg14[%get3A_323, %get3A_324] {strides = array<i32>} : memref<64x512xf32, #tpu.memory_space<vmem>>, vector<16xf32>,
        %add3A_326 = arith.addf %add3A_316, %get3A_325 : vector<16xf32>
        %get3A_327 = arith.constant 49 : i32
        %get3A_328 = arith.index_cast %get3A_327 : i32 to index
        %get3A_329 = arith.index_cast %mul3A_153 : i32 to index
        %get3A_330 = tpu.vector_load %arg14[%get3A_328, %get3A_329] {strides = array<i32>} : memref<64x512xf32, #tpu.memory_space<vmem>>, vector<16xf32>,
        %add3A_331 = arith.addf %add3A_321, %get3A_330 : vector<16xf32>
        %get3A_332 = arith.constant 18 : i32
        %get3A_333 = arith.index_cast %get3A_332 : i32 to index
        %get3A_334 = arith.index_cast %mul3A_153 : i32 to index
        %get3A_335 = tpu.vector_load %arg14[%get3A_333, %get3A_334] {strides = array<i32>} : memref<64x512xf32, #tpu.memory_space<vmem>>, vector<16xf32>,
        %add3A_336 = arith.addf %add3A_326, %get3A_335 : vector<16xf32>
        %get3A_337 = arith.constant 50 : i32
        %get3A_338 = arith.index_cast %get3A_337 : i32 to index
        %get3A_339 = arith.index_cast %mul3A_153 : i32 to index
        %get3A_340 = tpu.vector_load %arg14[%get3A_338, %get3A_339] {strides = array<i32>} : memref<64x512xf32, #tpu.memory_space<vmem>>, vector<16xf32>,
        %add3A_341 = arith.addf %add3A_331, %get3A_340 : vector<16xf32>
        %get3A_342 = arith.constant 19 : i32
        %get3A_343 = arith.index_cast %get3A_342 : i32 to index
        %get3A_344 = arith.index_cast %mul3A_153 : i32 to index
        %get3A_345 = tpu.vector_load %arg14[%get3A_343, %get3A_344] {strides = array<i32>} : memref<64x512xf32, #tpu.memory_space<vmem>>, vector<16xf32>,
        %add3A_346 = arith.addf %add3A_336, %get3A_345 : vector<16xf32>
        %get3A_347 = arith.constant 51 : i32
        %get3A_348 = arith.index_cast %get3A_347 : i32 to index
        %get3A_349 = arith.index_cast %mul3A_153 : i32 to index
        %get3A_350 = tpu.vector_load %arg14[%get3A_348, %get3A_349] {strides = array<i32>} : memref<64x512xf32, #tpu.memory_space<vmem>>, vector<16xf32>,
        %add3A_351 = arith.addf %add3A_341, %get3A_350 : vector<16xf32>
        %get3A_352 = arith.constant 20 : i32
        %get3A_353 = arith.index_cast %get3A_352 : i32 to index
        %get3A_354 = arith.index_cast %mul3A_153 : i32 to index
        %get3A_355 = tpu.vector_load %arg14[%get3A_353, %get3A_354] {strides = array<i32>} : memref<64x512xf32, #tpu.memory_space<vmem>>, vector<16xf32>,
        %add3A_356 = arith.addf %add3A_346, %get3A_355 : vector<16xf32>
        %get3A_357 = arith.constant 52 : i32
        %get3A_358 = arith.index_cast %get3A_357 : i32 to index
        %get3A_359 = arith.index_cast %mul3A_153 : i32 to index
        %get3A_360 = tpu.vector_load %arg14[%get3A_358, %get3A_359] {strides = array<i32>} : memref<64x512xf32, #tpu.memory_space<vmem>>, vector<16xf32>,
        %add3A_361 = arith.addf %add3A_351, %get3A_360 : vector<16xf32>
        %get3A_362 = arith.constant 21 : i32
        %get3A_363 = arith.index_cast %get3A_362 : i32 to index
        %get3A_364 = arith.index_cast %mul3A_153 : i32 to index
        %get3A_365 = tpu.vector_load %arg14[%get3A_363, %get3A_364] {strides = array<i32>} : memref<64x512xf32, #tpu.memory_space<vmem>>, vector<16xf32>,
        %add3A_366 = arith.addf %add3A_356, %get3A_365 : vector<16xf32>
        %get3A_367 = arith.constant 53 : i32
        %get3A_368 = arith.index_cast %get3A_367 : i32 to index
        %get3A_369 = arith.index_cast %mul3A_153 : i32 to index
        %get3A_370 = tpu.vector_load %arg14[%get3A_368, %get3A_369] {strides = array<i32>} : memref<64x512xf32, #tpu.memory_space<vmem>>, vector<16xf32>,
        %add3A_371 = arith.addf %add3A_361, %get3A_370 : vector<16xf32>
        %get3A_372 = arith.constant 22 : i32
        %get3A_373 = arith.index_cast %get3A_372 : i32 to index
        %get3A_374 = arith.index_cast %mul3A_153 : i32 to index
        %get3A_375 = tpu.vector_load %arg14[%get3A_373, %get3A_374] {strides = array<i32>} : memref<64x512xf32, #tpu.memory_space<vmem>>, vector<16xf32>,
        %add3A_376 = arith.addf %add3A_366, %get3A_375 : vector<16xf32>
        %get3A_377 = arith.constant 54 : i32
        %get3A_378 = arith.index_cast %get3A_377 : i32 to index
        %get3A_379 = arith.index_cast %mul3A_153 : i32 to index
        %get3A_380 = tpu.vector_load %arg14[%get3A_378, %get3A_379] {strides = array<i32>} : memref<64x512xf32, #tpu.memory_space<vmem>>, vector<16xf32>,
        %add3A_381 = arith.addf %add3A_371, %get3A_380 : vector<16xf32>
        %get3A_382 = arith.constant 23 : i32
        %get3A_383 = arith.index_cast %get3A_382 : i32 to index
        %get3A_384 = arith.index_cast %mul3A_153 : i32 to index
        %get3A_385 = tpu.vector_load %arg14[%get3A_383, %get3A_384] {strides = array<i32>} : memref<64x512xf32, #tpu.memory_space<vmem>>, vector<16xf32>,
        %add3A_386 = arith.addf %add3A_376, %get3A_385 : vector<16xf32>
        %get3A_387 = arith.constant 55 : i32
        %get3A_388 = arith.index_cast %get3A_387 : i32 to index
        %get3A_389 = arith.index_cast %mul3A_153 : i32 to index
        %get3A_390 = tpu.vector_load %arg14[%get3A_388, %get3A_389] {strides = array<i32>} : memref<64x512xf32, #tpu.memory_space<vmem>>, vector<16xf32>,
        %add3A_391 = arith.addf %add3A_381, %get3A_390 : vector<16xf32>
        %get3A_392 = arith.constant 24 : i32
        %get3A_393 = arith.index_cast %get3A_392 : i32 to index
        %get3A_394 = arith.index_cast %mul3A_153 : i32 to index
        %get3A_395 = tpu.vector_load %arg14[%get3A_393, %get3A_394] {strides = array<i32>} : memref<64x512xf32, #tpu.memory_space<vmem>>, vector<16xf32>,
        %add3A_396 = arith.addf %add3A_386, %get3A_395 : vector<16xf32>
        %get3A_397 = arith.constant 56 : i32
        %get3A_398 = arith.index_cast %get3A_397 : i32 to index
        %get3A_399 = arith.index_cast %mul3A_153 : i32 to index
        %get3A_400 = tpu.vector_load %arg14[%get3A_398, %get3A_399] {strides = array<i32>} : memref<64x512xf32, #tpu.memory_space<vmem>>, vector<16xf32>,
        %add3A_401 = arith.addf %add3A_391, %get3A_400 : vector<16xf32>
        %get3A_402 = arith.constant 25 : i32
        %get3A_403 = arith.index_cast %get3A_402 : i32 to index
        %get3A_404 = arith.index_cast %mul3A_153 : i32 to index
        %get3A_405 = tpu.vector_load %arg14[%get3A_403, %get3A_404] {strides = array<i32>} : memref<64x512xf32, #tpu.memory_space<vmem>>, vector<16xf32>,
        %add3A_406 = arith.addf %add3A_396, %get3A_405 : vector<16xf32>
        %get3A_407 = arith.constant 57 : i32
        %get3A_408 = arith.index_cast %get3A_407 : i32 to index
        %get3A_409 = arith.index_cast %mul3A_153 : i32 to index
        %get3A_410 = tpu.vector_load %arg14[%get3A_408, %get3A_409] {strides = array<i32>} : memref<64x512xf32, #tpu.memory_space<vmem>>, vector<16xf32>,
        %add3A_411 = arith.addf %add3A_401, %get3A_410 : vector<16xf32>
        %get3A_412 = arith.constant 26 : i32
        %get3A_413 = arith.index_cast %get3A_412 : i32 to index
        %get3A_414 = arith.index_cast %mul3A_153 : i32 to index
        %get3A_415 = tpu.vector_load %arg14[%get3A_413, %get3A_414] {strides = array<i32>} : memref<64x512xf32, #tpu.memory_space<vmem>>, vector<16xf32>,
        %add3A_416 = arith.addf %add3A_406, %get3A_415 : vector<16xf32>
        %get3A_417 = arith.constant 58 : i32
        %get3A_418 = arith.index_cast %get3A_417 : i32 to index
        %get3A_419 = arith.index_cast %mul3A_153 : i32 to index
        %get3A_420 = tpu.vector_load %arg14[%get3A_418, %get3A_419] {strides = array<i32>} : memref<64x512xf32, #tpu.memory_space<vmem>>, vector<16xf32>,
        %add3A_421 = arith.addf %add3A_411, %get3A_420 : vector<16xf32>
        %get3A_422 = arith.constant 27 : i32
        %get3A_423 = arith.index_cast %get3A_422 : i32 to index
        %get3A_424 = arith.index_cast %mul3A_153 : i32 to index
        %get3A_425 = tpu.vector_load %arg14[%get3A_423, %get3A_424] {strides = array<i32>} : memref<64x512xf32, #tpu.memory_space<vmem>>, vector<16xf32>,
        %add3A_426 = arith.addf %add3A_416, %get3A_425 : vector<16xf32>
        %get3A_427 = arith.constant 59 : i32
        %get3A_428 = arith.index_cast %get3A_427 : i32 to index
        %get3A_429 = arith.index_cast %mul3A_153 : i32 to index
        %get3A_430 = tpu.vector_load %arg14[%get3A_428, %get3A_429] {strides = array<i32>} : memref<64x512xf32, #tpu.memory_space<vmem>>, vector<16xf32>,
        %add3A_431 = arith.addf %add3A_421, %get3A_430 : vector<16xf32>
        %get3A_432 = arith.constant 28 : i32
        %get3A_433 = arith.index_cast %get3A_432 : i32 to index
        %get3A_434 = arith.index_cast %mul3A_153 : i32 to index
        %get3A_435 = tpu.vector_load %arg14[%get3A_433, %get3A_434] {strides = array<i32>} : memref<64x512xf32, #tpu.memory_space<vmem>>, vector<16xf32>,
        %add3A_436 = arith.addf %add3A_426, %get3A_435 : vector<16xf32>
        %get3A_437 = arith.constant 60 : i32
        %get3A_438 = arith.index_cast %get3A_437 : i32 to index
        %get3A_439 = arith.index_cast %mul3A_153 : i32 to index
        %get3A_440 = tpu.vector_load %arg14[%get3A_438, %get3A_439] {strides = array<i32>} : memref<64x512xf32, #tpu.memory_space<vmem>>, vector<16xf32>,
        %add3A_441 = arith.addf %add3A_431, %get3A_440 : vector<16xf32>
        %get3A_442 = arith.constant 29 : i32
        %get3A_443 = arith.index_cast %get3A_442 : i32 to index
        %get3A_444 = arith.index_cast %mul3A_153 : i32 to index
        %get3A_445 = tpu.vector_load %arg14[%get3A_443, %get3A_444] {strides = array<i32>} : memref<64x512xf32, #tpu.memory_space<vmem>>, vector<16xf32>,
        %add3A_446 = arith.addf %add3A_436, %get3A_445 : vector<16xf32>
        %get3A_447 = arith.constant 61 : i32
        %get3A_448 = arith.index_cast %get3A_447 : i32 to index
        %get3A_449 = arith.index_cast %mul3A_153 : i32 to index
        %get3A_450 = tpu.vector_load %arg14[%get3A_448, %get3A_449] {strides = array<i32>} : memref<64x512xf32, #tpu.memory_space<vmem>>, vector<16xf32>,
        %add3A_451 = arith.addf %add3A_441, %get3A_450 : vector<16xf32>
        %get3A_452 = arith.constant 30 : i32
        %get3A_453 = arith.index_cast %get3A_452 : i32 to index
        %get3A_454 = arith.index_cast %mul3A_153 : i32 to index
        %get3A_455 = tpu.vector_load %arg14[%get3A_453, %get3A_454] {strides = array<i32>} : memref<64x512xf32, #tpu.memory_space<vmem>>, vector<16xf32>,
        %add3A_456 = arith.addf %add3A_446, %get3A_455 : vector<16xf32>
        %get3A_457 = arith.constant 62 : i32
        %get3A_458 = arith.index_cast %get3A_457 : i32 to index
        %get3A_459 = arith.index_cast %mul3A_153 : i32 to index
        %get3A_460 = tpu.vector_load %arg14[%get3A_458, %get3A_459] {strides = array<i32>} : memref<64x512xf32, #tpu.memory_space<vmem>>, vector<16xf32>,
        %add3A_461 = arith.addf %add3A_451, %get3A_460 : vector<16xf32>
        %get3A_462 = arith.constant 31 : i32
        %get3A_463 = arith.index_cast %get3A_462 : i32 to index
        %get3A_464 = arith.index_cast %mul3A_153 : i32 to index
        %get3A_465 = tpu.vector_load %arg14[%get3A_463, %get3A_464] {strides = array<i32>} : memref<64x512xf32, #tpu.memory_space<vmem>>, vector<16xf32>,
        %add3A_466 = arith.addf %add3A_456, %get3A_465 : vector<16xf32>
        %get3A_467 = arith.constant 63 : i32
        %get3A_468 = arith.index_cast %get3A_467 : i32 to index
        %get3A_469 = arith.index_cast %mul3A_153 : i32 to index
        %get3A_470 = tpu.vector_load %arg14[%get3A_468, %get3A_469] {strides = array<i32>} : memref<64x512xf32, #tpu.memory_space<vmem>>, vector<16xf32>,
        %add3A_471 = arith.addf %add3A_461, %get3A_470 : vector<16xf32>
        %get3A_472 = arith.index_cast %mul3A_153 : i32 to index
        %get3A_473 = tpu.vector_load %arg11[%get3A_472] {strides = array<i32>} : memref<512xf32, #tpu.memory_space<vmem>>, vector<16xf32>,
        %add3A_474 = arith.addf %add3A_466, %get3A_473 : vector<16xf32>
        %add3A_475 = arith.addf %add3A_471, %get3A_473 : vector<16xf32>
        %sub3A_476 = arith.constant 1.000000e+00 : f32
        %sub3A_477 = arith.subf %sub3A_476, %squeeze3A : f32
        %mul3A_478 = vector.broadcast %sub3A_477 : f32 to vector<16xf32>
        %mul3A_479 = arith.mulf %mul3A_478, %add3A_474 : vector<16xf32>
        %mul3A_480 = vector.broadcast %squeeze3A : f32 to vector<16xf32>
        %mul3A_481 = arith.mulf %mul3A_480, %add3A_475 : vector<16xf32>
        %add3A_482 = arith.addf %mul3A_479, %mul3A_481 : vector<16xf32>
        %mul3A_483 = vector.broadcast %squeeze3A : f32 to vector<16xf32>
        %mul3A_484 = arith.mulf %mul3A_483, %add3A_474 : vector<16xf32>
        %sub3A_485 = arith.constant 1.000000e+00 : f32
        %sub3A_486 = arith.subf %sub3A_485, %squeeze3A : f32
        %mul3A_487 = vector.broadcast %sub3A_486 : f32 to vector<16xf32>
        %mul3A_488 = arith.mulf %mul3A_487, %add3A_475 : vector<16xf32>
        %add3A_489 = arith.addf %mul3A_484, %mul3A_488 : vector<16xf32>
        %jit3A = arith.constant 0.000000e+00 : f32
        %jit3A_490 = arith.constant 1.000000e+00 : f32
        %max3A = vector.broadcast %jit3A : f32 to vector<16xf32>
        %max3A_491 = arith.maximumf %max3A, %add3A_482 : vector<16xf32>
        %min3A = vector.broadcast %jit3A_490 : f32 to vector<16xf32>
        %min3A_492 = arith.minimumf %min3A, %max3A_491 : vector<16xf32>
        %jit3A_493 = arith.constant 0.000000e+00 : f32
        %jit3A_494 = arith.constant 1.000000e+00 : f32
        %max3A_495 = vector.broadcast %jit3A_493 : f32 to vector<16xf32>
        %max3A_496 = arith.maximumf %max3A_495, %add3A_489 : vector<16xf32>
        %min3A_497 = vector.broadcast %jit3A_494 : f32 to vector<16xf32>
        %min3A_498 = arith.minimumf %min3A_497, %max3A_496 : vector<16xf32>
        %mul3A_499 = arith.mulf %min3A_492, %min3A_492 : vector<16xf32>
        %get3A_500 = arith.index_cast %mul3A_153 : i32 to index
        %get3A_501 = tpu.vector_load %arg12[%get3A_500] {strides = array<i32>} : memref<1024xf32, #tpu.memory_space<vmem>>, vector<16xf32>,
        %mul3A_502 = arith.mulf %mul3A_499, %get3A_501 : vector<16xf32>
        %add3A_503 = arith.addf %scan3A_150, %mul3A_502 : vector<16xf32>
        %mul3A_504 = arith.mulf %min3A_498, %min3A_498 : vector<16xf32>
        %add3A_505 = arith.constant 512 : i32
        %add3A_506 = arith.addi %add3A_505, %mul3A_153 : i32
        %get3A_507 = arith.index_cast %add3A_506 : i32 to index
        %get3A_508 = tpu.vector_load %arg12[%get3A_507] {strides = array<i32>} : memref<1024xf32, #tpu.memory_space<vmem>>, vector<16xf32>,
        %mul3A_509 = arith.mulf %mul3A_504, %get3A_508 : vector<16xf32>
        %add3A_510 = arith.addf %scan3A_151, %mul3A_509 : vector<16xf32>
        scf.yield %add3A_503, %add3A_510 : vector<16xf32>, vector<16xf32>
      }
      %scan3A_58 = arith.constant 32 : i32
      %get3A_59 = arith.constant 0 : index
      %get3A_60 = tpu.vector_load %arg15[%get3A_59] {strides = array<i32>} : memref<64xf32, #tpu.memory_space<vmem>>, vector<16xf32>,
      %get3A_61 = arith.constant 16 : index
      %get3A_62 = tpu.vector_load %arg15[%get3A_61] {strides = array<i32>} : memref<64xf32, #tpu.memory_space<vmem>>, vector<16xf32>,
      %add3A_63 = arith.addf %get3A_60, %get3A_62 : vector<16xf32>
      %get3A_64 = arith.constant 32 : index
      %get3A_65 = tpu.vector_load %arg15[%get3A_64] {strides = array<i32>} : memref<64xf32, #tpu.memory_space<vmem>>, vector<16xf32>,
      %sub3A = arith.subf %add3A_63, %get3A_65 : vector<16xf32>
      %get3A_66 = arith.constant 48 : index
      %get3A_67 = tpu.vector_load %arg15[%get3A_66] {strides = array<i32>} : memref<64xf32, #tpu.memory_space<vmem>>, vector<16xf32>,
      %sub3A_68 = arith.subf %sub3A, %get3A_67 : vector<16xf32>
      %reduce_sum3A = arith.constant true
      %reduce_sum3A_69 = vector.broadcast %reduce_sum3A : i1 to vector<16xi1>
      %reduce_sum3A_70 = tpu.scan <sum>, %scan3A_57#0 masked %reduce_sum3A_69 : vector<16xf32>, vector<16xi1> -> vector<16xf32>
      %reduce_sum3A_71 = vector.extract %reduce_sum3A_70[15] : f32 from vector<16xf32>
      %reduce_sum3A_72 = arith.constant true
      %reduce_sum3A_73 = vector.broadcast %reduce_sum3A_72 : i1 to vector<16xi1>
      %reduce_sum3A_74 = tpu.scan <sum>, %scan3A_57#1 masked %reduce_sum3A_73 : vector<16xf32>, vector<16xi1> -> vector<16xf32>
      %reduce_sum3A_75 = vector.extract %reduce_sum3A_74[15] : f32 from vector<16xf32>
      %add3A_76 = arith.addf %reduce_sum3A_71, %reduce_sum3A_75 : f32
      %reduce_sum3A_77 = arith.constant true
      %reduce_sum3A_78 = vector.broadcast %reduce_sum3A_77 : i1 to vector<16xi1>
      %reduce_sum3A_79 = tpu.scan <sum>, %sub3A_68 masked %reduce_sum3A_78 : vector<16xf32>, vector<16xi1> -> vector<16xf32>
      %reduce_sum3A_80 = vector.extract %reduce_sum3A_79[15] : f32 from vector<16xf32>
      %sub3A_81 = arith.constant 5.000000e-01 : f32
      %sub3A_82 = arith.subf %sub3A_81, %squeeze3A : f32
      %mul3A_83 = arith.mulf %reduce_sum3A_80, %sub3A_82 : f32
      %add3A_84 = arith.addf %add3A_76, %mul3A_83 : f32
      %broadcast_in_dim3A_85 = vector.broadcast %mul3A_25 : i32 to vector<16xi32>
      %mul3A_86 = vector.broadcast %add3A_84 : f32 to vector<16xf32>
      %mul3A_87 = arith.mulf %broadcast_in_dim3A_5, %mul3A_86 : vector<16xf32>
      tpu.vector_store_idx %arg13[%broadcast_in_dim3A_85], %mul3A_87 masked %eq3A_4 : memref<128xf32, #tpu.memory_space<vmem>>[vector<16xi32>], vector<16xf32>, vector<16xi1>
      %lt3A = arith.constant 63 : i32
      %lt3A_88 = arith.cmpi slt, %scan3A_23, %lt3A : i32
      %convert_element_type3A = arith.extui %lt3A_88 : i1 to i32
      %cond3A = arith.constant 0 : i32
      %cond3A_89 = arith.cmpi ne, %convert_element_type3A, %cond3A : i32
      scf.if %cond3A_89 {
        %add3A_149 = arith.constant 2 : i32
        %add3A_150 = arith.addi %mul3A_25, %add3A_149 : i32
        %dma_start3A_151 = arith.constant 0 : i32
        %dma_start3A_152 = tpu.memref_slice %arg9[%add3A_150, %dma_start3A_151] : memref<128x64xi32, #tpu.memory_space<vmem>> -> memref<1x64xi32, #tpu.memory_space<vmem>>
        %dma_start3A_153 = tpu.memref_squeeze %dma_start3A_152 : memref<1x64xi32, #tpu.memory_space<vmem>> -> memref<64xi32, #tpu.memory_space<vmem>>
        %dma_start3A_154 = arith.constant 0 : i32
        %dma_start3A_155 = arith.constant 0 : i32
        %dma_start3A_156 = tpu.memref_slice %arg4[%dma_start3A_154, %dma_start3A_155] : memref<40960x512xf32, #tpu.memory_space<hbm>> -> memref<40960x512xf32, #tpu.memory_space<hbm>>
        tpu.enqueue_indirect_dma source(%dma_start3A_156 : memref<40960x512xf32, #tpu.memory_space<hbm>>) target(%arg14 : memref<64x512xf32, #tpu.memory_space<vmem>>) offsets(%dma_start3A_153 : memref<64xi32, #tpu.memory_space<vmem>>) semaphore(%arg18 : memref<!tpu.dma_semaphore, #tpu.memory_space<semaphore_mem>>)
        %dma_start3A_157 = arith.constant 0 : i32
        %dma_start3A_158 = tpu.memref_slice %arg9[%add3A_150, %dma_start3A_157] : memref<128x64xi32, #tpu.memory_space<vmem>> -> memref<1x64xi32, #tpu.memory_space<vmem>>
        %dma_start3A_159 = tpu.memref_squeeze %dma_start3A_158 : memref<1x64xi32, #tpu.memory_space<vmem>> -> memref<64xi32, #tpu.memory_space<vmem>>
        %dma_start3A_160 = arith.constant 0 : i32
        %dma_start3A_161 = tpu.memref_slice %arg6[%dma_start3A_160] : memref<40960xf32, #tpu.memory_space<hbm>> -> memref<40960xf32, #tpu.memory_space<hbm>>
        tpu.enqueue_indirect_dma source(%dma_start3A_161 : memref<40960xf32, #tpu.memory_space<hbm>>) target(%arg15 : memref<64xf32, #tpu.memory_space<vmem>>) offsets(%dma_start3A_159 : memref<64xi32, #tpu.memory_space<vmem>>) semaphore(%arg18 : memref<!tpu.dma_semaphore, #tpu.memory_space<semaphore_mem>>)
      } else {
      }
      %add3A_90 = arith.constant 1 : i32
      %add3A_91 = arith.addi %mul3A_25, %add3A_90 : i32
      %dma_wait3A_92 = arith.constant 0 : i32
      %dma_wait3A_93 = tpu.memref_slice %arg9[%add3A_91, %dma_wait3A_92] : memref<128x64xi32, #tpu.memory_space<vmem>> -> memref<1x64xi32, #tpu.memory_space<vmem>>
      %dma_wait3A_94 = tpu.memref_squeeze %dma_wait3A_93 : memref<1x64xi32, #tpu.memory_space<vmem>> -> memref<64xi32, #tpu.memory_space<vmem>>
      %dma_wait3A_95 = arith.constant 0 : i32
      %dma_wait3A_96 = arith.constant 0 : i32
      %dma_wait3A_97 = tpu.memref_slice %arg4[%dma_wait3A_95, %dma_wait3A_96] : memref<40960x512xf32, #tpu.memory_space<hbm>> -> memref<40960x512xf32, #tpu.memory_space<hbm>>
      tpu.wait_indirect_dma semaphore(%arg19 : memref<!tpu.dma_semaphore, #tpu.memory_space<semaphore_mem>>) src(%dma_wait3A_97 : memref<40960x512xf32, #tpu.memory_space<hbm>>) dst(%arg16 : memref<64x512xf32, #tpu.memory_space<vmem>>)
      %dma_wait3A_98 = arith.constant 0 : i32
      %dma_wait3A_99 = tpu.memref_slice %arg9[%add3A_91, %dma_wait3A_98] : memref<128x64xi32, #tpu.memory_space<vmem>> -> memref<1x64xi32, #tpu.memory_space<vmem>>
      %dma_wait3A_100 = tpu.memref_squeeze %dma_wait3A_99 : memref<1x64xi32, #tpu.memory_space<vmem>> -> memref<64xi32, #tpu.memory_space<vmem>>
      %dma_wait3A_101 = arith.constant 0 : i32
      %dma_wait3A_102 = tpu.memref_slice %arg6[%dma_wait3A_101] : memref<40960xf32, #tpu.memory_space<hbm>> -> memref<40960xf32, #tpu.memory_space<hbm>>
      tpu.wait_indirect_dma semaphore(%arg19 : memref<!tpu.dma_semaphore, #tpu.memory_space<semaphore_mem>>) src(%dma_wait3A_102 : memref<40960xf32, #tpu.memory_space<hbm>>) dst(%arg17 : memref<64xf32, #tpu.memory_space<vmem>>)
      %add3A_103 = arith.constant 1 : i32
      %add3A_104 = arith.addi %mul3A_25, %add3A_103 : i32
      %get3A_105 = arith.index_cast %add3A_104 : i32 to index
      %get3A_106 = arith.constant 0 : index
      %get3A_107 = tpu.vector_load %arg10[%get3A_105, %get3A_106] {strides = array<i32>} : memref<128x16xf32, #tpu.memory_space<vmem>>, vector<16xf32>,
      %slice3A_108 = vector.extract_strided_slice %get3A_107 {offsets = [0], sizes = [1], strides = [1]} : vector<16xf32> to vector<1xf32>
      %squeeze3A_109 = vector.extract %slice3A_108[0] : f32 from vector<1xf32>
      %broadcast_in_dim3A_110 = arith.constant 0.000000e+00 : f32
      %broadcast_in_dim3A_111 = vector.broadcast %broadcast_in_dim3A_110 : f32 to vector<16xf32>
      %scan3A_112 = arith.constant 0 : i32
      %scan3A_113 = arith.constant 32 : i32
      %scan3A_114 = arith.addi %scan3A_112, %scan3A_113 : i32
      %scan3A_115 = arith.constant 1 : i32
      %scan3A_116:2 = scf.for %scan3A_149 = %scan3A_112 to %scan3A_114 step %scan3A_115 iter_args(%scan3A_150 = %broadcast_in_dim3A_111, %scan3A_151 = %broadcast_in_dim3A_111) -> (vector<16xf32>, vector<16xf32>)  : i32 {
        %mul3A_152 = arith.constant 16 : i32
        %mul3A_153 = arith.muli %scan3A_149, %mul3A_152 : i32
        %get3A_154 = arith.constant 0 : i32
        %get3A_155 = arith.index_cast %get3A_154 : i32 to index
        %get3A_156 = arith.index_cast %mul3A_153 : i32 to index
        %get3A_157 = tpu.vector_load %arg16[%get3A_155, %get3A_156] {strides = array<i32>} : memref<64x512xf32, #tpu.memory_space<vmem>>, vector<16xf32>,
        %get3A_158 = arith.constant 32 : i32
        %get3A_159 = arith.index_cast %get3A_158 : i32 to index
        %get3A_160 = arith.index_cast %mul3A_153 : i32 to index
        %get3A_161 = tpu.vector_load %arg16[%get3A_159, %get3A_160] {strides = array<i32>} : memref<64x512xf32, #tpu.memory_space<vmem>>, vector<16xf32>,
        %get3A_162 = arith.constant 1 : i32
        %get3A_163 = arith.index_cast %get3A_162 : i32 to index
        %get3A_164 = arith.index_cast %mul3A_153 : i32 to index
        %get3A_165 = tpu.vector_load %arg16[%get3A_163, %get3A_164] {strides = array<i32>} : memref<64x512xf32, #tpu.memory_space<vmem>>, vector<16xf32>,
        %add3A_166 = arith.addf %get3A_157, %get3A_165 : vector<16xf32>
        %get3A_167 = arith.constant 33 : i32
        %get3A_168 = arith.index_cast %get3A_167 : i32 to index
        %get3A_169 = arith.index_cast %mul3A_153 : i32 to index
        %get3A_170 = tpu.vector_load %arg16[%get3A_168, %get3A_169] {strides = array<i32>} : memref<64x512xf32, #tpu.memory_space<vmem>>, vector<16xf32>,
        %add3A_171 = arith.addf %get3A_161, %get3A_170 : vector<16xf32>
        %get3A_172 = arith.constant 2 : i32
        %get3A_173 = arith.index_cast %get3A_172 : i32 to index
        %get3A_174 = arith.index_cast %mul3A_153 : i32 to index
        %get3A_175 = tpu.vector_load %arg16[%get3A_173, %get3A_174] {strides = array<i32>} : memref<64x512xf32, #tpu.memory_space<vmem>>, vector<16xf32>,
        %add3A_176 = arith.addf %add3A_166, %get3A_175 : vector<16xf32>
        %get3A_177 = arith.constant 34 : i32
        %get3A_178 = arith.index_cast %get3A_177 : i32 to index
        %get3A_179 = arith.index_cast %mul3A_153 : i32 to index
        %get3A_180 = tpu.vector_load %arg16[%get3A_178, %get3A_179] {strides = array<i32>} : memref<64x512xf32, #tpu.memory_space<vmem>>, vector<16xf32>,
        %add3A_181 = arith.addf %add3A_171, %get3A_180 : vector<16xf32>
        %get3A_182 = arith.constant 3 : i32
        %get3A_183 = arith.index_cast %get3A_182 : i32 to index
        %get3A_184 = arith.index_cast %mul3A_153 : i32 to index
        %get3A_185 = tpu.vector_load %arg16[%get3A_183, %get3A_184] {strides = array<i32>} : memref<64x512xf32, #tpu.memory_space<vmem>>, vector<16xf32>,
        %add3A_186 = arith.addf %add3A_176, %get3A_185 : vector<16xf32>
        %get3A_187 = arith.constant 35 : i32
        %get3A_188 = arith.index_cast %get3A_187 : i32 to index
        %get3A_189 = arith.index_cast %mul3A_153 : i32 to index
        %get3A_190 = tpu.vector_load %arg16[%get3A_188, %get3A_189] {strides = array<i32>} : memref<64x512xf32, #tpu.memory_space<vmem>>, vector<16xf32>,
        %add3A_191 = arith.addf %add3A_181, %get3A_190 : vector<16xf32>
        %get3A_192 = arith.constant 4 : i32
        %get3A_193 = arith.index_cast %get3A_192 : i32 to index
        %get3A_194 = arith.index_cast %mul3A_153 : i32 to index
        %get3A_195 = tpu.vector_load %arg16[%get3A_193, %get3A_194] {strides = array<i32>} : memref<64x512xf32, #tpu.memory_space<vmem>>, vector<16xf32>,
        %add3A_196 = arith.addf %add3A_186, %get3A_195 : vector<16xf32>
        %get3A_197 = arith.constant 36 : i32
        %get3A_198 = arith.index_cast %get3A_197 : i32 to index
        %get3A_199 = arith.index_cast %mul3A_153 : i32 to index
        %get3A_200 = tpu.vector_load %arg16[%get3A_198, %get3A_199] {strides = array<i32>} : memref<64x512xf32, #tpu.memory_space<vmem>>, vector<16xf32>,
        %add3A_201 = arith.addf %add3A_191, %get3A_200 : vector<16xf32>
        %get3A_202 = arith.constant 5 : i32
        %get3A_203 = arith.index_cast %get3A_202 : i32 to index
        %get3A_204 = arith.index_cast %mul3A_153 : i32 to index
        %get3A_205 = tpu.vector_load %arg16[%get3A_203, %get3A_204] {strides = array<i32>} : memref<64x512xf32, #tpu.memory_space<vmem>>, vector<16xf32>,
        %add3A_206 = arith.addf %add3A_196, %get3A_205 : vector<16xf32>
        %get3A_207 = arith.constant 37 : i32
        %get3A_208 = arith.index_cast %get3A_207 : i32 to index
        %get3A_209 = arith.index_cast %mul3A_153 : i32 to index
        %get3A_210 = tpu.vector_load %arg16[%get3A_208, %get3A_209] {strides = array<i32>} : memref<64x512xf32, #tpu.memory_space<vmem>>, vector<16xf32>,
        %add3A_211 = arith.addf %add3A_201, %get3A_210 : vector<16xf32>
        %get3A_212 = arith.constant 6 : i32
        %get3A_213 = arith.index_cast %get3A_212 : i32 to index
        %get3A_214 = arith.index_cast %mul3A_153 : i32 to index
        %get3A_215 = tpu.vector_load %arg16[%get3A_213, %get3A_214] {strides = array<i32>} : memref<64x512xf32, #tpu.memory_space<vmem>>, vector<16xf32>,
        %add3A_216 = arith.addf %add3A_206, %get3A_215 : vector<16xf32>
        %get3A_217 = arith.constant 38 : i32
        %get3A_218 = arith.index_cast %get3A_217 : i32 to index
        %get3A_219 = arith.index_cast %mul3A_153 : i32 to index
        %get3A_220 = tpu.vector_load %arg16[%get3A_218, %get3A_219] {strides = array<i32>} : memref<64x512xf32, #tpu.memory_space<vmem>>, vector<16xf32>,
        %add3A_221 = arith.addf %add3A_211, %get3A_220 : vector<16xf32>
        %get3A_222 = arith.constant 7 : i32
        %get3A_223 = arith.index_cast %get3A_222 : i32 to index
        %get3A_224 = arith.index_cast %mul3A_153 : i32 to index
        %get3A_225 = tpu.vector_load %arg16[%get3A_223, %get3A_224] {strides = array<i32>} : memref<64x512xf32, #tpu.memory_space<vmem>>, vector<16xf32>,
        %add3A_226 = arith.addf %add3A_216, %get3A_225 : vector<16xf32>
        %get3A_227 = arith.constant 39 : i32
        %get3A_228 = arith.index_cast %get3A_227 : i32 to index
        %get3A_229 = arith.index_cast %mul3A_153 : i32 to index
        %get3A_230 = tpu.vector_load %arg16[%get3A_228, %get3A_229] {strides = array<i32>} : memref<64x512xf32, #tpu.memory_space<vmem>>, vector<16xf32>,
        %add3A_231 = arith.addf %add3A_221, %get3A_230 : vector<16xf32>
        %get3A_232 = arith.constant 8 : i32
        %get3A_233 = arith.index_cast %get3A_232 : i32 to index
        %get3A_234 = arith.index_cast %mul3A_153 : i32 to index
        %get3A_235 = tpu.vector_load %arg16[%get3A_233, %get3A_234] {strides = array<i32>} : memref<64x512xf32, #tpu.memory_space<vmem>>, vector<16xf32>,
        %add3A_236 = arith.addf %add3A_226, %get3A_235 : vector<16xf32>
        %get3A_237 = arith.constant 40 : i32
        %get3A_238 = arith.index_cast %get3A_237 : i32 to index
        %get3A_239 = arith.index_cast %mul3A_153 : i32 to index
        %get3A_240 = tpu.vector_load %arg16[%get3A_238, %get3A_239] {strides = array<i32>} : memref<64x512xf32, #tpu.memory_space<vmem>>, vector<16xf32>,
        %add3A_241 = arith.addf %add3A_231, %get3A_240 : vector<16xf32>
        %get3A_242 = arith.constant 9 : i32
        %get3A_243 = arith.index_cast %get3A_242 : i32 to index
        %get3A_244 = arith.index_cast %mul3A_153 : i32 to index
        %get3A_245 = tpu.vector_load %arg16[%get3A_243, %get3A_244] {strides = array<i32>} : memref<64x512xf32, #tpu.memory_space<vmem>>, vector<16xf32>,
        %add3A_246 = arith.addf %add3A_236, %get3A_245 : vector<16xf32>
        %get3A_247 = arith.constant 41 : i32
        %get3A_248 = arith.index_cast %get3A_247 : i32 to index
        %get3A_249 = arith.index_cast %mul3A_153 : i32 to index
        %get3A_250 = tpu.vector_load %arg16[%get3A_248, %get3A_249] {strides = array<i32>} : memref<64x512xf32, #tpu.memory_space<vmem>>, vector<16xf32>,
        %add3A_251 = arith.addf %add3A_241, %get3A_250 : vector<16xf32>
        %get3A_252 = arith.constant 10 : i32
        %get3A_253 = arith.index_cast %get3A_252 : i32 to index
        %get3A_254 = arith.index_cast %mul3A_153 : i32 to index
        %get3A_255 = tpu.vector_load %arg16[%get3A_253, %get3A_254] {strides = array<i32>} : memref<64x512xf32, #tpu.memory_space<vmem>>, vector<16xf32>,
        %add3A_256 = arith.addf %add3A_246, %get3A_255 : vector<16xf32>
        %get3A_257 = arith.constant 42 : i32
        %get3A_258 = arith.index_cast %get3A_257 : i32 to index
        %get3A_259 = arith.index_cast %mul3A_153 : i32 to index
        %get3A_260 = tpu.vector_load %arg16[%get3A_258, %get3A_259] {strides = array<i32>} : memref<64x512xf32, #tpu.memory_space<vmem>>, vector<16xf32>,
        %add3A_261 = arith.addf %add3A_251, %get3A_260 : vector<16xf32>
        %get3A_262 = arith.constant 11 : i32
        %get3A_263 = arith.index_cast %get3A_262 : i32 to index
        %get3A_264 = arith.index_cast %mul3A_153 : i32 to index
        %get3A_265 = tpu.vector_load %arg16[%get3A_263, %get3A_264] {strides = array<i32>} : memref<64x512xf32, #tpu.memory_space<vmem>>, vector<16xf32>,
        %add3A_266 = arith.addf %add3A_256, %get3A_265 : vector<16xf32>
        %get3A_267 = arith.constant 43 : i32
        %get3A_268 = arith.index_cast %get3A_267 : i32 to index
        %get3A_269 = arith.index_cast %mul3A_153 : i32 to index
        %get3A_270 = tpu.vector_load %arg16[%get3A_268, %get3A_269] {strides = array<i32>} : memref<64x512xf32, #tpu.memory_space<vmem>>, vector<16xf32>,
        %add3A_271 = arith.addf %add3A_261, %get3A_270 : vector<16xf32>
        %get3A_272 = arith.constant 12 : i32
        %get3A_273 = arith.index_cast %get3A_272 : i32 to index
        %get3A_274 = arith.index_cast %mul3A_153 : i32 to index
        %get3A_275 = tpu.vector_load %arg16[%get3A_273, %get3A_274] {strides = array<i32>} : memref<64x512xf32, #tpu.memory_space<vmem>>, vector<16xf32>,
        %add3A_276 = arith.addf %add3A_266, %get3A_275 : vector<16xf32>
        %get3A_277 = arith.constant 44 : i32
        %get3A_278 = arith.index_cast %get3A_277 : i32 to index
        %get3A_279 = arith.index_cast %mul3A_153 : i32 to index
        %get3A_280 = tpu.vector_load %arg16[%get3A_278, %get3A_279] {strides = array<i32>} : memref<64x512xf32, #tpu.memory_space<vmem>>, vector<16xf32>,
        %add3A_281 = arith.addf %add3A_271, %get3A_280 : vector<16xf32>
        %get3A_282 = arith.constant 13 : i32
        %get3A_283 = arith.index_cast %get3A_282 : i32 to index
        %get3A_284 = arith.index_cast %mul3A_153 : i32 to index
        %get3A_285 = tpu.vector_load %arg16[%get3A_283, %get3A_284] {strides = array<i32>} : memref<64x512xf32, #tpu.memory_space<vmem>>, vector<16xf32>,
        %add3A_286 = arith.addf %add3A_276, %get3A_285 : vector<16xf32>
        %get3A_287 = arith.constant 45 : i32
        %get3A_288 = arith.index_cast %get3A_287 : i32 to index
        %get3A_289 = arith.index_cast %mul3A_153 : i32 to index
        %get3A_290 = tpu.vector_load %arg16[%get3A_288, %get3A_289] {strides = array<i32>} : memref<64x512xf32, #tpu.memory_space<vmem>>, vector<16xf32>,
        %add3A_291 = arith.addf %add3A_281, %get3A_290 : vector<16xf32>
        %get3A_292 = arith.constant 14 : i32
        %get3A_293 = arith.index_cast %get3A_292 : i32 to index
        %get3A_294 = arith.index_cast %mul3A_153 : i32 to index
        %get3A_295 = tpu.vector_load %arg16[%get3A_293, %get3A_294] {strides = array<i32>} : memref<64x512xf32, #tpu.memory_space<vmem>>, vector<16xf32>,
        %add3A_296 = arith.addf %add3A_286, %get3A_295 : vector<16xf32>
        %get3A_297 = arith.constant 46 : i32
        %get3A_298 = arith.index_cast %get3A_297 : i32 to index
        %get3A_299 = arith.index_cast %mul3A_153 : i32 to index
        %get3A_300 = tpu.vector_load %arg16[%get3A_298, %get3A_299] {strides = array<i32>} : memref<64x512xf32, #tpu.memory_space<vmem>>, vector<16xf32>,
        %add3A_301 = arith.addf %add3A_291, %get3A_300 : vector<16xf32>
        %get3A_302 = arith.constant 15 : i32
        %get3A_303 = arith.index_cast %get3A_302 : i32 to index
        %get3A_304 = arith.index_cast %mul3A_153 : i32 to index
        %get3A_305 = tpu.vector_load %arg16[%get3A_303, %get3A_304] {strides = array<i32>} : memref<64x512xf32, #tpu.memory_space<vmem>>, vector<16xf32>,
        %add3A_306 = arith.addf %add3A_296, %get3A_305 : vector<16xf32>
        %get3A_307 = arith.constant 47 : i32
        %get3A_308 = arith.index_cast %get3A_307 : i32 to index
        %get3A_309 = arith.index_cast %mul3A_153 : i32 to index
        %get3A_310 = tpu.vector_load %arg16[%get3A_308, %get3A_309] {strides = array<i32>} : memref<64x512xf32, #tpu.memory_space<vmem>>, vector<16xf32>,
        %add3A_311 = arith.addf %add3A_301, %get3A_310 : vector<16xf32>
        %get3A_312 = arith.constant 16 : i32
        %get3A_313 = arith.index_cast %get3A_312 : i32 to index
        %get3A_314 = arith.index_cast %mul3A_153 : i32 to index
        %get3A_315 = tpu.vector_load %arg16[%get3A_313, %get3A_314] {strides = array<i32>} : memref<64x512xf32, #tpu.memory_space<vmem>>, vector<16xf32>,
        %add3A_316 = arith.addf %add3A_306, %get3A_315 : vector<16xf32>
        %get3A_317 = arith.constant 48 : i32
        %get3A_318 = arith.index_cast %get3A_317 : i32 to index
        %get3A_319 = arith.index_cast %mul3A_153 : i32 to index
        %get3A_320 = tpu.vector_load %arg16[%get3A_318, %get3A_319] {strides = array<i32>} : memref<64x512xf32, #tpu.memory_space<vmem>>, vector<16xf32>,
        %add3A_321 = arith.addf %add3A_311, %get3A_320 : vector<16xf32>
        %get3A_322 = arith.constant 17 : i32
        %get3A_323 = arith.index_cast %get3A_322 : i32 to index
        %get3A_324 = arith.index_cast %mul3A_153 : i32 to index
        %get3A_325 = tpu.vector_load %arg16[%get3A_323, %get3A_324] {strides = array<i32>} : memref<64x512xf32, #tpu.memory_space<vmem>>, vector<16xf32>,
        %add3A_326 = arith.addf %add3A_316, %get3A_325 : vector<16xf32>
        %get3A_327 = arith.constant 49 : i32
        %get3A_328 = arith.index_cast %get3A_327 : i32 to index
        %get3A_329 = arith.index_cast %mul3A_153 : i32 to index
        %get3A_330 = tpu.vector_load %arg16[%get3A_328, %get3A_329] {strides = array<i32>} : memref<64x512xf32, #tpu.memory_space<vmem>>, vector<16xf32>,
        %add3A_331 = arith.addf %add3A_321, %get3A_330 : vector<16xf32>
        %get3A_332 = arith.constant 18 : i32
        %get3A_333 = arith.index_cast %get3A_332 : i32 to index
        %get3A_334 = arith.index_cast %mul3A_153 : i32 to index
        %get3A_335 = tpu.vector_load %arg16[%get3A_333, %get3A_334] {strides = array<i32>} : memref<64x512xf32, #tpu.memory_space<vmem>>, vector<16xf32>,
        %add3A_336 = arith.addf %add3A_326, %get3A_335 : vector<16xf32>
        %get3A_337 = arith.constant 50 : i32
        %get3A_338 = arith.index_cast %get3A_337 : i32 to index
        %get3A_339 = arith.index_cast %mul3A_153 : i32 to index
        %get3A_340 = tpu.vector_load %arg16[%get3A_338, %get3A_339] {strides = array<i32>} : memref<64x512xf32, #tpu.memory_space<vmem>>, vector<16xf32>,
        %add3A_341 = arith.addf %add3A_331, %get3A_340 : vector<16xf32>
        %get3A_342 = arith.constant 19 : i32
        %get3A_343 = arith.index_cast %get3A_342 : i32 to index
        %get3A_344 = arith.index_cast %mul3A_153 : i32 to index
        %get3A_345 = tpu.vector_load %arg16[%get3A_343, %get3A_344] {strides = array<i32>} : memref<64x512xf32, #tpu.memory_space<vmem>>, vector<16xf32>,
        %add3A_346 = arith.addf %add3A_336, %get3A_345 : vector<16xf32>
        %get3A_347 = arith.constant 51 : i32
        %get3A_348 = arith.index_cast %get3A_347 : i32 to index
        %get3A_349 = arith.index_cast %mul3A_153 : i32 to index
        %get3A_350 = tpu.vector_load %arg16[%get3A_348, %get3A_349] {strides = array<i32>} : memref<64x512xf32, #tpu.memory_space<vmem>>, vector<16xf32>,
        %add3A_351 = arith.addf %add3A_341, %get3A_350 : vector<16xf32>
        %get3A_352 = arith.constant 20 : i32
        %get3A_353 = arith.index_cast %get3A_352 : i32 to index
        %get3A_354 = arith.index_cast %mul3A_153 : i32 to index
        %get3A_355 = tpu.vector_load %arg16[%get3A_353, %get3A_354] {strides = array<i32>} : memref<64x512xf32, #tpu.memory_space<vmem>>, vector<16xf32>,
        %add3A_356 = arith.addf %add3A_346, %get3A_355 : vector<16xf32>
        %get3A_357 = arith.constant 52 : i32
        %get3A_358 = arith.index_cast %get3A_357 : i32 to index
        %get3A_359 = arith.index_cast %mul3A_153 : i32 to index
        %get3A_360 = tpu.vector_load %arg16[%get3A_358, %get3A_359] {strides = array<i32>} : memref<64x512xf32, #tpu.memory_space<vmem>>, vector<16xf32>,
        %add3A_361 = arith.addf %add3A_351, %get3A_360 : vector<16xf32>
        %get3A_362 = arith.constant 21 : i32
        %get3A_363 = arith.index_cast %get3A_362 : i32 to index
        %get3A_364 = arith.index_cast %mul3A_153 : i32 to index
        %get3A_365 = tpu.vector_load %arg16[%get3A_363, %get3A_364] {strides = array<i32>} : memref<64x512xf32, #tpu.memory_space<vmem>>, vector<16xf32>,
        %add3A_366 = arith.addf %add3A_356, %get3A_365 : vector<16xf32>
        %get3A_367 = arith.constant 53 : i32
        %get3A_368 = arith.index_cast %get3A_367 : i32 to index
        %get3A_369 = arith.index_cast %mul3A_153 : i32 to index
        %get3A_370 = tpu.vector_load %arg16[%get3A_368, %get3A_369] {strides = array<i32>} : memref<64x512xf32, #tpu.memory_space<vmem>>, vector<16xf32>,
        %add3A_371 = arith.addf %add3A_361, %get3A_370 : vector<16xf32>
        %get3A_372 = arith.constant 22 : i32
        %get3A_373 = arith.index_cast %get3A_372 : i32 to index
        %get3A_374 = arith.index_cast %mul3A_153 : i32 to index
        %get3A_375 = tpu.vector_load %arg16[%get3A_373, %get3A_374] {strides = array<i32>} : memref<64x512xf32, #tpu.memory_space<vmem>>, vector<16xf32>,
        %add3A_376 = arith.addf %add3A_366, %get3A_375 : vector<16xf32>
        %get3A_377 = arith.constant 54 : i32
        %get3A_378 = arith.index_cast %get3A_377 : i32 to index
        %get3A_379 = arith.index_cast %mul3A_153 : i32 to index
        %get3A_380 = tpu.vector_load %arg16[%get3A_378, %get3A_379] {strides = array<i32>} : memref<64x512xf32, #tpu.memory_space<vmem>>, vector<16xf32>,
        %add3A_381 = arith.addf %add3A_371, %get3A_380 : vector<16xf32>
        %get3A_382 = arith.constant 23 : i32
        %get3A_383 = arith.index_cast %get3A_382 : i32 to index
        %get3A_384 = arith.index_cast %mul3A_153 : i32 to index
        %get3A_385 = tpu.vector_load %arg16[%get3A_383, %get3A_384] {strides = array<i32>} : memref<64x512xf32, #tpu.memory_space<vmem>>, vector<16xf32>,
        %add3A_386 = arith.addf %add3A_376, %get3A_385 : vector<16xf32>
        %get3A_387 = arith.constant 55 : i32
        %get3A_388 = arith.index_cast %get3A_387 : i32 to index
        %get3A_389 = arith.index_cast %mul3A_153 : i32 to index
        %get3A_390 = tpu.vector_load %arg16[%get3A_388, %get3A_389] {strides = array<i32>} : memref<64x512xf32, #tpu.memory_space<vmem>>, vector<16xf32>,
        %add3A_391 = arith.addf %add3A_381, %get3A_390 : vector<16xf32>
        %get3A_392 = arith.constant 24 : i32
        %get3A_393 = arith.index_cast %get3A_392 : i32 to index
        %get3A_394 = arith.index_cast %mul3A_153 : i32 to index
        %get3A_395 = tpu.vector_load %arg16[%get3A_393, %get3A_394] {strides = array<i32>} : memref<64x512xf32, #tpu.memory_space<vmem>>, vector<16xf32>,
        %add3A_396 = arith.addf %add3A_386, %get3A_395 : vector<16xf32>
        %get3A_397 = arith.constant 56 : i32
        %get3A_398 = arith.index_cast %get3A_397 : i32 to index
        %get3A_399 = arith.index_cast %mul3A_153 : i32 to index
        %get3A_400 = tpu.vector_load %arg16[%get3A_398, %get3A_399] {strides = array<i32>} : memref<64x512xf32, #tpu.memory_space<vmem>>, vector<16xf32>,
        %add3A_401 = arith.addf %add3A_391, %get3A_400 : vector<16xf32>
        %get3A_402 = arith.constant 25 : i32
        %get3A_403 = arith.index_cast %get3A_402 : i32 to index
        %get3A_404 = arith.index_cast %mul3A_153 : i32 to index
        %get3A_405 = tpu.vector_load %arg16[%get3A_403, %get3A_404] {strides = array<i32>} : memref<64x512xf32, #tpu.memory_space<vmem>>, vector<16xf32>,
        %add3A_406 = arith.addf %add3A_396, %get3A_405 : vector<16xf32>
        %get3A_407 = arith.constant 57 : i32
        %get3A_408 = arith.index_cast %get3A_407 : i32 to index
        %get3A_409 = arith.index_cast %mul3A_153 : i32 to index
        %get3A_410 = tpu.vector_load %arg16[%get3A_408, %get3A_409] {strides = array<i32>} : memref<64x512xf32, #tpu.memory_space<vmem>>, vector<16xf32>,
        %add3A_411 = arith.addf %add3A_401, %get3A_410 : vector<16xf32>
        %get3A_412 = arith.constant 26 : i32
        %get3A_413 = arith.index_cast %get3A_412 : i32 to index
        %get3A_414 = arith.index_cast %mul3A_153 : i32 to index
        %get3A_415 = tpu.vector_load %arg16[%get3A_413, %get3A_414] {strides = array<i32>} : memref<64x512xf32, #tpu.memory_space<vmem>>, vector<16xf32>,
        %add3A_416 = arith.addf %add3A_406, %get3A_415 : vector<16xf32>
        %get3A_417 = arith.constant 58 : i32
        %get3A_418 = arith.index_cast %get3A_417 : i32 to index
        %get3A_419 = arith.index_cast %mul3A_153 : i32 to index
        %get3A_420 = tpu.vector_load %arg16[%get3A_418, %get3A_419] {strides = array<i32>} : memref<64x512xf32, #tpu.memory_space<vmem>>, vector<16xf32>,
        %add3A_421 = arith.addf %add3A_411, %get3A_420 : vector<16xf32>
        %get3A_422 = arith.constant 27 : i32
        %get3A_423 = arith.index_cast %get3A_422 : i32 to index
        %get3A_424 = arith.index_cast %mul3A_153 : i32 to index
        %get3A_425 = tpu.vector_load %arg16[%get3A_423, %get3A_424] {strides = array<i32>} : memref<64x512xf32, #tpu.memory_space<vmem>>, vector<16xf32>,
        %add3A_426 = arith.addf %add3A_416, %get3A_425 : vector<16xf32>
        %get3A_427 = arith.constant 59 : i32
        %get3A_428 = arith.index_cast %get3A_427 : i32 to index
        %get3A_429 = arith.index_cast %mul3A_153 : i32 to index
        %get3A_430 = tpu.vector_load %arg16[%get3A_428, %get3A_429] {strides = array<i32>} : memref<64x512xf32, #tpu.memory_space<vmem>>, vector<16xf32>,
        %add3A_431 = arith.addf %add3A_421, %get3A_430 : vector<16xf32>
        %get3A_432 = arith.constant 28 : i32
        %get3A_433 = arith.index_cast %get3A_432 : i32 to index
        %get3A_434 = arith.index_cast %mul3A_153 : i32 to index
        %get3A_435 = tpu.vector_load %arg16[%get3A_433, %get3A_434] {strides = array<i32>} : memref<64x512xf32, #tpu.memory_space<vmem>>, vector<16xf32>,
        %add3A_436 = arith.addf %add3A_426, %get3A_435 : vector<16xf32>
        %get3A_437 = arith.constant 60 : i32
        %get3A_438 = arith.index_cast %get3A_437 : i32 to index
        %get3A_439 = arith.index_cast %mul3A_153 : i32 to index
        %get3A_440 = tpu.vector_load %arg16[%get3A_438, %get3A_439] {strides = array<i32>} : memref<64x512xf32, #tpu.memory_space<vmem>>, vector<16xf32>,
        %add3A_441 = arith.addf %add3A_431, %get3A_440 : vector<16xf32>
        %get3A_442 = arith.constant 29 : i32
        %get3A_443 = arith.index_cast %get3A_442 : i32 to index
        %get3A_444 = arith.index_cast %mul3A_153 : i32 to index
        %get3A_445 = tpu.vector_load %arg16[%get3A_443, %get3A_444] {strides = array<i32>} : memref<64x512xf32, #tpu.memory_space<vmem>>, vector<16xf32>,
        %add3A_446 = arith.addf %add3A_436, %get3A_445 : vector<16xf32>
        %get3A_447 = arith.constant 61 : i32
        %get3A_448 = arith.index_cast %get3A_447 : i32 to index
        %get3A_449 = arith.index_cast %mul3A_153 : i32 to index
        %get3A_450 = tpu.vector_load %arg16[%get3A_448, %get3A_449] {strides = array<i32>} : memref<64x512xf32, #tpu.memory_space<vmem>>, vector<16xf32>,
        %add3A_451 = arith.addf %add3A_441, %get3A_450 : vector<16xf32>
        %get3A_452 = arith.constant 30 : i32
        %get3A_453 = arith.index_cast %get3A_452 : i32 to index
        %get3A_454 = arith.index_cast %mul3A_153 : i32 to index
        %get3A_455 = tpu.vector_load %arg16[%get3A_453, %get3A_454] {strides = array<i32>} : memref<64x512xf32, #tpu.memory_space<vmem>>, vector<16xf32>,
        %add3A_456 = arith.addf %add3A_446, %get3A_455 : vector<16xf32>
        %get3A_457 = arith.constant 62 : i32
        %get3A_458 = arith.index_cast %get3A_457 : i32 to index
        %get3A_459 = arith.index_cast %mul3A_153 : i32 to index
        %get3A_460 = tpu.vector_load %arg16[%get3A_458, %get3A_459] {strides = array<i32>} : memref<64x512xf32, #tpu.memory_space<vmem>>, vector<16xf32>,
        %add3A_461 = arith.addf %add3A_451, %get3A_460 : vector<16xf32>
        %get3A_462 = arith.constant 31 : i32
        %get3A_463 = arith.index_cast %get3A_462 : i32 to index
        %get3A_464 = arith.index_cast %mul3A_153 : i32 to index
        %get3A_465 = tpu.vector_load %arg16[%get3A_463, %get3A_464] {strides = array<i32>} : memref<64x512xf32, #tpu.memory_space<vmem>>, vector<16xf32>,
        %add3A_466 = arith.addf %add3A_456, %get3A_465 : vector<16xf32>
        %get3A_467 = arith.constant 63 : i32
        %get3A_468 = arith.index_cast %get3A_467 : i32 to index
        %get3A_469 = arith.index_cast %mul3A_153 : i32 to index
        %get3A_470 = tpu.vector_load %arg16[%get3A_468, %get3A_469] {strides = array<i32>} : memref<64x512xf32, #tpu.memory_space<vmem>>, vector<16xf32>,
        %add3A_471 = arith.addf %add3A_461, %get3A_470 : vector<16xf32>
        %get3A_472 = arith.index_cast %mul3A_153 : i32 to index
        %get3A_473 = tpu.vector_load %arg11[%get3A_472] {strides = array<i32>} : memref<512xf32, #tpu.memory_space<vmem>>, vector<16xf32>,
        %add3A_474 = arith.addf %add3A_466, %get3A_473 : vector<16xf32>
        %add3A_475 = arith.addf %add3A_471, %get3A_473 : vector<16xf32>
        %sub3A_476 = arith.constant 1.000000e+00 : f32
        %sub3A_477 = arith.subf %sub3A_476, %squeeze3A_109 : f32
        %mul3A_478 = vector.broadcast %sub3A_477 : f32 to vector<16xf32>
        %mul3A_479 = arith.mulf %mul3A_478, %add3A_474 : vector<16xf32>
        %mul3A_480 = vector.broadcast %squeeze3A_109 : f32 to vector<16xf32>
        %mul3A_481 = arith.mulf %mul3A_480, %add3A_475 : vector<16xf32>
        %add3A_482 = arith.addf %mul3A_479, %mul3A_481 : vector<16xf32>
        %mul3A_483 = vector.broadcast %squeeze3A_109 : f32 to vector<16xf32>
        %mul3A_484 = arith.mulf %mul3A_483, %add3A_474 : vector<16xf32>
        %sub3A_485 = arith.constant 1.000000e+00 : f32
        %sub3A_486 = arith.subf %sub3A_485, %squeeze3A_109 : f32
        %mul3A_487 = vector.broadcast %sub3A_486 : f32 to vector<16xf32>
        %mul3A_488 = arith.mulf %mul3A_487, %add3A_475 : vector<16xf32>
        %add3A_489 = arith.addf %mul3A_484, %mul3A_488 : vector<16xf32>
        %jit3A = arith.constant 0.000000e+00 : f32
        %jit3A_490 = arith.constant 1.000000e+00 : f32
        %max3A = vector.broadcast %jit3A : f32 to vector<16xf32>
        %max3A_491 = arith.maximumf %max3A, %add3A_482 : vector<16xf32>
        %min3A = vector.broadcast %jit3A_490 : f32 to vector<16xf32>
        %min3A_492 = arith.minimumf %min3A, %max3A_491 : vector<16xf32>
        %jit3A_493 = arith.constant 0.000000e+00 : f32
        %jit3A_494 = arith.constant 1.000000e+00 : f32
        %max3A_495 = vector.broadcast %jit3A_493 : f32 to vector<16xf32>
        %max3A_496 = arith.maximumf %max3A_495, %add3A_489 : vector<16xf32>
        %min3A_497 = vector.broadcast %jit3A_494 : f32 to vector<16xf32>
        %min3A_498 = arith.minimumf %min3A_497, %max3A_496 : vector<16xf32>
        %mul3A_499 = arith.mulf %min3A_492, %min3A_492 : vector<16xf32>
        %get3A_500 = arith.index_cast %mul3A_153 : i32 to index
        %get3A_501 = tpu.vector_load %arg12[%get3A_500] {strides = array<i32>} : memref<1024xf32, #tpu.memory_space<vmem>>, vector<16xf32>,
        %mul3A_502 = arith.mulf %mul3A_499, %get3A_501 : vector<16xf32>
        %add3A_503 = arith.addf %scan3A_150, %mul3A_502 : vector<16xf32>
        %mul3A_504 = arith.mulf %min3A_498, %min3A_498 : vector<16xf32>
        %add3A_505 = arith.constant 512 : i32
        %add3A_506 = arith.addi %add3A_505, %mul3A_153 : i32
        %get3A_507 = arith.index_cast %add3A_506 : i32 to index
        %get3A_508 = tpu.vector_load %arg12[%get3A_507] {strides = array<i32>} : memref<1024xf32, #tpu.memory_space<vmem>>, vector<16xf32>,
        %mul3A_509 = arith.mulf %mul3A_504, %get3A_508 : vector<16xf32>
        %add3A_510 = arith.addf %scan3A_151, %mul3A_509 : vector<16xf32>
        scf.yield %add3A_503, %add3A_510 : vector<16xf32>, vector<16xf32>
      }
      %scan3A_117 = arith.constant 32 : i32
      %get3A_118 = arith.constant 0 : index
      %get3A_119 = tpu.vector_load %arg17[%get3A_118] {strides = array<i32>} : memref<64xf32, #tpu.memory_space<vmem>>, vector<16xf32>,
      %get3A_120 = arith.constant 16 : index
      %get3A_121 = tpu.vector_load %arg17[%get3A_120] {strides = array<i32>} : memref<64xf32, #tpu.memory_space<vmem>>, vector<16xf32>,
      %add3A_122 = arith.addf %get3A_119, %get3A_121 : vector<16xf32>
      %get3A_123 = arith.constant 32 : index
      %get3A_124 = tpu.vector_load %arg17[%get3A_123] {strides = array<i32>} : memref<64xf32, #tpu.memory_space<vmem>>, vector<16xf32>,
      %sub3A_125 = arith.subf %add3A_122, %get3A_124 : vector<16xf32>
      %get3A_126 = arith.constant 48 : index
      %get3A_127 = tpu.vector_load %arg17[%get3A_126] {strides = array<i32>} : memref<64xf32, #tpu.memory_space<vmem>>, vector<16xf32>,
      %sub3A_128 = arith.subf %sub3A_125, %get3A_127 : vector<16xf32>
      %reduce_sum3A_129 = arith.constant true
      %reduce_sum3A_130 = vector.broadcast %reduce_sum3A_129 : i1 to vector<16xi1>
      %reduce_sum3A_131 = tpu.scan <sum>, %scan3A_116#0 masked %reduce_sum3A_130 : vector<16xf32>, vector<16xi1> -> vector<16xf32>
      %reduce_sum3A_132 = vector.extract %reduce_sum3A_131[15] : f32 from vector<16xf32>
      %reduce_sum3A_133 = arith.constant true
      %reduce_sum3A_134 = vector.broadcast %reduce_sum3A_133 : i1 to vector<16xi1>
      %reduce_sum3A_135 = tpu.scan <sum>, %scan3A_116#1 masked %reduce_sum3A_134 : vector<16xf32>, vector<16xi1> -> vector<16xf32>
      %reduce_sum3A_136 = vector.extract %reduce_sum3A_135[15] : f32 from vector<16xf32>
      %add3A_137 = arith.addf %reduce_sum3A_132, %reduce_sum3A_136 : f32
      %reduce_sum3A_138 = arith.constant true
      %reduce_sum3A_139 = vector.broadcast %reduce_sum3A_138 : i1 to vector<16xi1>
      %reduce_sum3A_140 = tpu.scan <sum>, %sub3A_128 masked %reduce_sum3A_139 : vector<16xf32>, vector<16xi1> -> vector<16xf32>
      %reduce_sum3A_141 = vector.extract %reduce_sum3A_140[15] : f32 from vector<16xf32>
      %sub3A_142 = arith.constant 5.000000e-01 : f32
      %sub3A_143 = arith.subf %sub3A_142, %squeeze3A_109 : f32
      %mul3A_144 = arith.mulf %reduce_sum3A_141, %sub3A_143 : f32
      %add3A_145 = arith.addf %add3A_137, %mul3A_144 : f32
      %broadcast_in_dim3A_146 = vector.broadcast %add3A_104 : i32 to vector<16xi32>
      %mul3A_147 = vector.broadcast %add3A_145 : f32 to vector<16xf32>
      %mul3A_148 = arith.mulf %broadcast_in_dim3A_5, %mul3A_147 : vector<16xf32>
      tpu.vector_store_idx %arg13[%broadcast_in_dim3A_146], %mul3A_148 masked %eq3A_4 : memref<128xf32, #tpu.memory_space<vmem>>[vector<16xi32>], vector<16xf32>, vector<16xi1>
    }
    %scan3A_22 = arith.constant 64 : i32
    "tpu.region"() ({
      %run_scoped3A = tpu.sem_alloc : memref<!tpu.dma_semaphore, #tpu.memory_space<semaphore_mem>>
      %dma_start3A_23 = tpu.memref_slice %arg8[%mul3A_2] : memref<4096xf32, #tpu.memory_space<hbm>> -> memref<128xf32, #tpu.memory_space<hbm>>
      %dma_start3A_24 = tpu.memref_slice %arg8[%mul3A_2] : memref<4096xf32, #tpu.memory_space<hbm>> -> memref<128xf32, #tpu.memory_space<hbm>>
      tpu.enqueue_dma source(%arg13 : memref<128xf32, #tpu.memory_space<vmem>>) target(%dma_start3A_24 : memref<128xf32, #tpu.memory_space<hbm>>) target_semaphore(%run_scoped3A : memref<!tpu.dma_semaphore, #tpu.memory_space<semaphore_mem>>)
      %dma_wait3A = tpu.memref_slice %arg8[%mul3A_2] : memref<4096xf32, #tpu.memory_space<hbm>> -> memref<128xf32, #tpu.memory_space<hbm>>
      %dma_wait3A_25 = tpu.memref_slice %arg8[%mul3A_2] : memref<4096xf32, #tpu.memory_space<hbm>> -> memref<128xf32, #tpu.memory_space<hbm>>
      tpu.wait_dma2 semaphore(%run_scoped3A : memref<!tpu.dma_semaphore, #tpu.memory_space<semaphore_mem>>) src(%arg13 : memref<128xf32, #tpu.memory_space<vmem>>) dst(%dma_wait3A_25 : memref<128xf32, #tpu.memory_space<hbm>>)
      tpu.yield
    }) : () -> ()
    return
  }
}

</mosaic_0001>

<sc_bundles>
// kernel: _run.3.cloned.1.call-start
scs
__scs_entry_jumppad:
0x0: {  	(pc) =	sbr.rel $0x88, $3  }
0x1: {  	(tag) =	ssettag $0x0;
	lr =	simm.s32 $0x1  }
0x2: {  	[smem:$0x3F99] =	sst lr;
	_ =	strace $0xD0000000  }
0x3: {  	_ = 	snop  }
0x4: {  	_ = 	snop  }
0x5: {  	_ = 	snop  }
0x6: {  	_ = 	snop  }
0x7: {  	_ = 	snop  }
__scs_overlays_trampoline_lowered:
0x8: {  	[smem:$0x3FA8] =	sst s0  }
0x9: {  	[smem:$0x3FA9] =	sst s1  }
0xa: {  	[smem:$0x3FAA] =	sst s2  }
0xb: {  	[smem:$0x3FAB] =	sst s3  }
0xc: {  	[smem:$0x3FAC] =	sst s4  }
0xd: {  	[smem:$0x3FAD] =	sst s5  }
0xe: {  	[smem:$0x3FAE] =	sst s6  }
0xf: {  	[smem:$0x3FAF] =	sst s7  }
0x10: {  	[smem:$0x3FB0] =	sst s8  }
0x11: {  	[smem:$0x3FB1] =	sst s9;
	s0 =	simm.s32 @!p0 $0x0  }
0x12: {  	s1 =	sld [smem:$0x3F97];
	s0 =	simm.s32 @p0 $0x1  }
0x13: {  	[smem:$0x3FB2] =	sst s0;
	s0 =	simm.s32 @!p1 $0x0  }
0x14: {  	s2 =	sld [smem:$0x3F96];
	s0 =	simm.s32 @p1 $0x1  }
0x15: {  	[smem:$0x3FB3] =	sst s0;
	s0 =	simm.s32 @!p2 $0x0  }
0x16: {  	s3 =	sld [smem:$0x3FDB];
	s0 =	simm.s32 @p2 $0x1  }
0x17: {  	s4 =	simm.s32 $0x1BF5;
	[smem:$0x3FB5] =	sst s0  }
0x18: {  	s0 =	sld [smem:$0x3F98];
	_ =	swait.ge [sflag:s4], $0x0  }
0x19: {  	s7 =	sld [smem:$0x3F99]  }
0x1a: {  	s8 =	sadd.s32 $0xFFFFE003, lr  }
0x1b: {  	s9 =	sadd.s32 $0xFFFFFEF7, lr;
	s5 =	simm.s32 $0xFFFFFFFF;
	p2 =	slt.u32 s8, $0xFFFFF086  }
0x1c: {  	p1 =	slt.u32 s9, $0xF7A;
	s5 =	simm.s32 @!p2 $0x0  }
0x1d: {  	s5 =	simm.s32 @p1 $0x1;
	p0 =	seq.s32 s7, s2  }
0x1e: {  	s7 =	smul.u32 @!p0 $0xF7A, s2;
	p2 =	seq.s32 @!p0 s5, $0x0  }
0x1f: {  	s9 =	smul.u32 $0xF7A, s1;
	s8 =	simm.s32 @!p0 $0x1BF5;
	p2 =	por !p2, p0  }
0x20: {  	[sflag:s8] =	ssyncset.s32 @!p0 $0xFFFFF086;
	s6 =	sadd.s32 @!p0 s3, s7;
	s7 =	simm.s32 @!p0 $0x108  }
0x21: {  	s3 =	sadd.s32 s3, s9;
	s6 =	sadd.s32 @!p0 $0x88, s6;
	s7 =	simm.s32 @p2 $0x1082  }
0x22: {  	[simem:s7], [sflag:s8] =	dma.local @!p0 [hbm:s6], $0xF7A  }
0x23: {  	s9 =	sor.u32 $0xD0000000, s2;
	s6 =	simm.s32 $0x108;
	_ =	swait.ge @!p0 [sflag:s8], $0x0  }
0x24: {  	s3 =	sadd.s32 $0x88, s3;
	s6 =	simm.s32 @!p1 $0x1082;
	[sflag:s4] =	ssyncset.s32 $0xFFFFF086  }
0x25: {  	[simem:s6], [sflag:s4] =	dma.local [hbm:s3], $0xF7A  }
0x26: {  	[smem:$0x3F99] =	sst s1;
	(tag) =	ssettag s2;
	_ =	strace s9  }
0x27: {  	s1 =	sld [smem:$0x3FA9]  }
0x28: {  	s2 =	sld [smem:$0x3FAA]  }
0x29: {  	s4 =	sld [smem:$0x3FAC]  }
0x2a: {  	p0 =	seq.s32 s5, $0x0;
	s5 =	sld [smem:$0x3FAD]  }
0x2b: {  	s6 =	sld [smem:$0x3FAE]  }
0x2c: {  	s7 =	sld [smem:$0x3FAF]  }
0x2d: {  	s3 =	simm.s32 $0x108;
	s8 =	sld [smem:$0x3FB0]  }
0x2e: {  	s3 =	simm.s32 @!p0 $0x1082;
	s9 =	sld [smem:$0x3FB1]  }
0x2f: {  	lr =	sadd.s32 s0, s3;
	s0 =	sld [smem:$0x3FA8]  }
0x30: {  	s3 =	sld [smem:$0x3FAB]  }
0x31: {  	[smem:$0x3FB4] =	sst s10  }
0x32: {  	s10 =	sld [smem:$0x3FB2];
	_ =	sdelay $0x3  }
0x33: {  	p0 =	seq.s32 s10, $0x1;
	s10 =	sld [smem:$0x3FB4];
	_ =	sdelay $0x3  }
0x34: {  	[smem:$0x3FB4] =	sst s10  }
0x35: {  	s10 =	sld [smem:$0x3FB3];
	_ =	sdelay $0x3  }
0x36: {  	p1 =	seq.s32 s10, $0x1;
	s10 =	sld [smem:$0x3FB4];
	_ =	sdelay $0x3  }
0x37: {  	[smem:$0x3FB4] =	sst s10  }
0x38: {  	s10 =	sld [smem:$0x3FB5]  }
0x39: {  	_ = 	snop;
	(pc) =	sbr.ind lr, $3  }
0x3a: {  	_ = 	snop  }
0x3b: {  	_ = 	snop  }
0x3c: {  	p2 =	seq.s32 s10, $0x1;
	s10 =	sld [smem:$0x3FB4]  }
0x3d: {  	_ =	shalt  }
0x3e: {  	_ =	shalt  }
0x3f: {  	_ =	shalt  }
0x40: {  	_ =	shalt  }
0x41: {  	_ =	shalt  }
0x42: {  	_ =	shalt  }
0x43: {  	_ =	shalt  }
0x44: {  	_ =	shalt  }
0x45: {  	_ =	shalt  }
0x46: {  	_ =	shalt  }
0x47: {  	_ =	shalt  }
0x48: {  	_ =	shalt  }
0x49: {  	_ =	shalt  }
0x4a: {  	_ =	shalt  }
0x4b: {  	_ =	shalt  }
0x4c: {  	_ =	shalt  }
0x4d: {  	_ =	shalt  }
0x4e: {  	_ =	shalt  }
0x4f: {  	_ =	shalt  }
0x50: {  	_ =	shalt  }
0x51: {  	_ =	shalt  }
0x52: {  	_ =	shalt  }
0x53: {  	_ =	shalt  }
0x54: {  	_ =	shalt  }
0x55: {  	_ =	shalt  }
0x56: {  	_ =	shalt  }
0x57: {  	_ =	shalt  }
0x58: {  	_ =	shalt  }
0x59: {  	_ =	shalt  }
0x5a: {  	_ =	shalt  }
0x5b: {  	_ =	shalt  }
0x5c: {  	_ =	shalt  }
0x5d: {  	_ =	shalt  }
0x5e: {  	_ =	shalt  }
0x5f: {  	_ =	shalt  }
0x60: {  	_ =	shalt  }
0x61: {  	_ =	shalt  }
0x62: {  	_ =	shalt  }
0x63: {  	_ =	shalt  }
0x64: {  	_ =	shalt  }
0x65: {  	_ =	shalt  }
0x66: {  	_ =	shalt  }
0x67: {  	_ =	shalt  }
0x68: {  	_ =	shalt  }
0x69: {  	_ =	shalt  }
0x6a: {  	_ =	shalt  }
0x6b: {  	_ =	shalt  }
0x6c: {  	_ =	shalt  }
0x6d: {  	_ =	shalt  }
0x6e: {  	_ =	shalt  }
0x6f: {  	_ =	shalt  }
0x70: {  	_ =	shalt  }
0x71: {  	_ =	shalt  }
0x72: {  	_ =	shalt  }
0x73: {  	_ =	shalt  }
0x74: {  	_ =	shalt  }
0x75: {  	_ =	shalt  }
0x76: {  	_ =	shalt  }
0x77: {  	_ =	shalt  }
0x78: {  	_ =	shalt  }
0x79: {  	_ =	shalt  }
0x7a: {  	_ =	shalt  }
0x7b: {  	_ =	shalt  }
0x7c: {  	_ =	shalt  }
0x7d: {  	_ =	shalt  }
0x7e: {  	_ =	shalt  }
0x7f: {  	_ =	shalt  }
0x80: {  	_ =	shalt  }
0x81: {  	_ =	shalt  }
0x82: {  	_ =	shalt  }
0x83: {  	_ =	shalt  }
0x84: {  	_ =	shalt  }
0x85: {  	_ =	shalt  }
0x86: {  	_ =	shalt  }
0x87: {  	_ =	shalt  }
.Lfunc_end0:
.L_simem_size_0:
called_computation_lowered:
.L_overlay_start_0:
0x88: {  	s2 =	sld [smem:$0x3FD9]  }
0x89: {  	s3 =	sld [smem:$0x3FFE];
	_ =	sdelay $0x1  }
0x8a: {  	s1 =	srdreg.scid  }
0x8b: {  	s0 =	sand.u32 $0x1, s1  }
0x8c: {  	s17 =	sshll.u32 s0, $0xA;
	s2 =	sadd.s32 s3, s2  }
0x8d: {  	s2 =	sadd.s32 s2, s17  }
0x8e: {  	[smem:$0x3FC0] =	sst s2  }
0x8f: {  	_ = 	snop  }
0x90: {  	s2 =	sld [smem:$0x3FC6]  }
0x91: {  	s18 =	sld [smem:$0x3FC5]  }
0x92: {  	s4 =	sld [smem:$0x3FC4]  }
0x93: {  	s5 =	sld [smem:$0x3FC3]  }
0x94: {  	s6 =	sld [smem:$0x3FD0];
	(tm) =	ssettm $0x1  }
0x95: {  	s7 =	sld [smem:$0x3FFB];
	_ =	sdelay $0x3  }
0x96: {  	_ =	strace s7  }
0x97: {  	s7 =	sld [smem:$0x3FFC];
	_ =	sdelay $0x3  }
0x98: {  	_ =	strace s7  }
0x99: {  	s7 =	sld [smem:$0x3FFD];
	_ =	sdelay $0x3  }
0x9a: {  	_ =	strace s7  }
0x9b: {  	_ =	strace $0x8FFFFFFF  }
0x9c: {  	s19 =	sld [smem:$0x3FDB];
	_ =	sdelay $0x1  }
0x9d: {  	s8 =	simm.s32 $_scs_section_size  }
0x9e: {  	s9 =	simm.s32 $_size__tile_overlayer_lowered;
	s10 =	simm.s32 $_tile_overlayer_lowered  }
0x9f: {  	s22 =	simm.s32 $0x1BFF;
	s21 =	sshll.u32 s10, $0x1;
	s7 =	sadd.s32 s8, s19  }
0xa0: {  	s11 =	simm.s32 $0x0;
	s20 =	sshll.u32 s9, $0x1;
	s9 =	sadd.s32 s21, s7  }
0xa1: {  	[timem:s11], [sflag:s22] =	dma.local [hbm:s9], s20  }
0xa2: {  	_ =	swait.ge [sflag:s22], s20  }
0xa3: {  	s8 =	ssub.s32 $0x0, s20;
	[sflag:s22] =	ssyncset.done $0x0  }
0xa4: {  	[sflag:s22] =	ssyncadd.s32 s8;
	_ =	sdelay $0x1  }
0xa5: {  	s23 =	simm.s32 $0x1B8B  }
0xa6: {  	_ =	swait.ge [sflag:s23], $0x1  }
0xa7: {  	[sflag:s23] =	ssyncset.done $0x0  }
0xa8: {  	s25 =	simm.s32 $0x1B8E;
	s24 =	sld [smem:$0x3FFE];
	[sflag:s23] =	ssyncadd.s32 $0xFFFFFFFF  }
0xa9: {  	s26 =	simm.s32 $execute0_lowered;
	[smem:$0x3FD2] =	sst s25  }
0xaa: {  	s9 =	sshll.u32 s26, $0x1;
	_ =	strace $0x80000046;
	[dreg:$0x1] =	wrdreg $0xFFFFFFFF  }
0xab: {  	s28 =	simm.s32 $_size_execute0_lowered;
	s7 =	sadd.s32 s7, s9;
	[dreg:$0x0] =	wrdreg $0x0  }
0xac: {  	s9 =	sshll.u32 s28, $0x1;
	[dreg:$0x2] =	wrdreg s7  }
0xad: {  	[dreg:$0x3] =	wrdreg s9  }
0xae: {  	[dreg:$0x4] =	wrdreg $0xC0  }
0xaf: {  	_ =	task [dreg:s11], $0x5FFFF  }
0xb0: {  	[dreg:$0x1] =	wrdreg $0xFFFFFFFF  }
0xb1: {  	[dreg:$0x0] =	wrdreg $0x60  }
0xb2: {  	[dreg:$0x2] =	wrdreg s24  }
0xb3: {  	[dreg:$0x3] =	wrdreg s2  }
0xb4: {  	[dreg:$0x4] =	wrdreg s18  }
0xb5: {  	[dreg:$0x5] =	wrdreg s4  }
0xb6: {  	[dreg:$0x6] =	wrdreg s5  }
0xb7: {  	[dreg:$0x7] =	wrdreg s6  }
0xb8: {  	[dreg:$0x8] =	wrdreg $0x9  }
0xb9: {  	_ =	task.clear_ibuf [dreg:s11], $0x9FFFF;
	_ =	strace $0x90000046  }
0xba: {  	s29 =	simm.s32 $0x9;
	_ =	strace $0x80000048  }
0xbb: {  	_ =	swait.ge [sflag:s29], $0x1  }
0xbc: {  	[sflag:s29] =	ssyncadd.s32 $0xFFFFFFFF  }
0xbd: {  	_ =	strace $0x90000048  }
0xbe: {  	_ =	sfence  }
0xbf: {  	s30 =	sld [smem:$0x0];
	_ =	sdelay $0x2  }
0xc0: {  	s31 =	sshll.u32 s1, $0xD;
	s1 =	sshrl.u32 s1, $0x2  }
0xc1: {  	s3 =	sand.u32 $0x4000, s31;
	s1 =	sadd.s32 s1, s30  }
0xc2: {  	s0 =	sor.u32 s3, s0;
	s1 =	sshll.u32 s1, $0x11  }
0xc3: {  	s0 =	sor.u32 s1, s0  }
0xc4: {  	s0 =	sadd.s32 $0x8F2B, s0  }
0xc5: {  	[sflag:s0] =	ssyncadd.remote.s32 $0x1  }
0xc6: {  	_ =	sfence.sel $0xFFFF  }
0xc7: {  	[dreg:$0x0] =	wrdreg $0xFFFFFFFF;
	(pc) =	sbr.abs _section_cstart, $3  }
0xc8: {  	[dreg:$0x1] =	wrdreg $0xFFFFFFFF  }
0xc9: {  	_ =	task.clear_ibuf [dreg:s11], $0x2FFFF;
	_ =	strace $0x9FFFFFFF  }
0xca: {  	(tm) =	ssettm $0x7FFFFFFF  }
0xcb: {  	_ =	shalt  }
tec
execute0_lowered:
.L_overlay_start_1:
0x0: {  	(tag) =	ssettag $0x1  }
0x1: {  	s1 =	rddreg [dreg:$0x0]  }
0x2: {  	s0 =	rddreg [dreg:$0x1]  }
0x3: {  	s3 =	rddreg [dreg:$0x3]  }
0x4: {  	s2 =	srdreg.scid;
	s5 =	stileid.u32  }
0x5: {  	s4 =	rddreg [dreg:$0x5];
	s11 =	simm.s32 $0x13F00;
	s12 =	simm.s32 $0x14700  }
0x6: {  	s16 =	simm.s32 $0x14F00;
	s17 =	simm.s32 $0x15700;
	s18 =	simm.s32 $0x15F00  }
0x7: {  	s19 =	simm.s32 $0x16700;
	s20 =	simm.s32 $0x16F00;
	s21 =	simm.s32 $0x17700  }
0x8: {  	s22 =	simm.s32 $0x17F00;
	s23 =	simm.s32 $0x18700;
	s24 =	simm.s32 $0x1  }
0x9: {  	s25 =	simm.s32 $0x8600;
	s26 =	simm.s32 $0x2;
	s2 =	sand.u32 $0x1, s2  }
0xa: {  	s5 =	sshll.u32 s5, $0x8;
	s6 =	sshll.u32 s2, $0x7;
	s2 =	ssub.s32 $0x2, s2  }
0xb: {  	s9 =	sadd.s32 $0x100, s0;
	s5 =	sor.u32 s6, s5;
	s28 =	sshrl.u32 s2, $0x1  }
0xc: {  	s6 =	simm.s32 $0x0;
	s7 =	sshll.u32 s5, $0x4;
	s2 =	ssub.s32 s2, s28  }
0xd: {  	[smem:$0x7FF] =	sst s6;
	s1 =	sadd.s32 s7, s1;
	s31 =	smax.u32 s2, $0x1  }
0xe: {  	_ =	strace $0x80000047;
	s29 =	sadd.s32 $0x800, s1;
	[dreg:$0xa] =	wrdreg s31  }
0xf: {  	v2 =	vlaneseq.u32;
	s30 =	sshrl.u32 s5, $0x3;
	s1 =	sadd.s32 $0x10800, s1;
	[dreg:$0x7] =	wrdreg s29  }
0x10: {  	vm0 =	vmmov $0xffff;
	v1 =	vshrl.u32 v2, $0x3;
	s5 =	simm.s32 $0x0;
	[dreg:$0x8] =	wrdreg s1;
	s1 =	sadd.s32 s4, s30  }
0x11: {  	v0 =	vand.u32 $0x7, v2;
	v2 =	vor.u32 $0x8, v2;
	v1 =	vmul.u32 $0x8, v1;
	s4 =	simm.s32 $0x3;
	[dreg:$0x9] =	wrdreg s1;
	s1 =	simm.s32 $0x40  }
.LBB2_1:
0x12: {  	[dreg:$0xb] =	wrdreg s5  }
0x13: {  	s2 =	rddreg [dreg:$0x7]  }
0x14: {  	[tilespmem:s6], [sflag:$0x3] =	stream.linear.gather [hbm4b:s2+s6], $0x4000, $0x38;
	[tilespmem:$0x18780] =	vst v63  }
0x15: {  	_ =	swait.ge [sflag:s4], $0x4000  }
0x16: {  	[sflag:s4] =	ssyncset.done $0x0  }
0x17: {  	s31 =	simm.s32 $0x4000;
	s30 =	rddreg [dreg:$0x8];
	[sflag:s4] =	ssyncadd.s32 $0xFFFFC000  }
0x18: {  	[tilespmem:s31], [sflag:$0x3] =	stream.linear.gather [hbm4b:s30+s6], $0x4000, $0x38;
	[tilespmem:$0x18780] =	vst v63  }
0x19: {  	_ =	swait.ge [sflag:s4], $0x4000  }
0x1a: {  	[sflag:s4] =	ssyncset.done $0x0  }
0x1b: {  	[sflag:s4] =	ssyncadd.s32 $0xFFFFC000  }
0x1c: {  	s7 =	simm.s32 $0x8000;
	s5 =	rddreg [dreg:$0x2]  }
0x1d: {  	[tilespmem:s7], [sflag:$0x3] =	stream.linear.gather [hbm4b:s5+s6], $0x200, $0x38;
	[tilespmem:$0x18780] =	vst v63  }
0x1e: {  	_ =	swait.ge [sflag:s4], $0x200  }
0x1f: {  	[sflag:s4] =	ssyncset.done $0x0  }
0x20: {  	[sflag:s4] =	ssyncadd.s32 $0xFFFFFE00  }
0x21: {  	s10 =	simm.s32 $0x8200;
	s8 =	rddreg [dreg:$0x4]  }
0x22: {  	[tilespmem:s10], [sflag:$0x3] =	stream.linear.gather [hbm4b:s8+s6], $0x400, $0x38;
	[tilespmem:$0x18780] =	vst v63  }
0x23: {  	_ =	swait.ge [sflag:s4], $0x400  }
0x24: {  	[sflag:s4] =	ssyncset.done $0x0  }
0x25: {  	[sflag:s4] =	ssyncadd.s32 $0xFFFFFC00  }
0x26: {  	v3 =	vld [tilespmem:$0x0];
	_ =	sdelay $0x4  }
0x27: {  	v4 =	vshll.u32 v3, $0x2  }
0x28: {  	v3 =	vand.u32 $0x7, v3;
	v4 =	vand.u32 $0xFFFFFFE0, v4  }
0x29: {  	v3 =	vor.u32 v3, v4  }
0x2a: {  	v4 =	vperm.xlane v3, v0;
	_ =	sdelay $0x1  }
0x2b: {  	v4 =	vadd.s32 v1, v4;
	_ =	sdelay $0x1  }
0x2c: {  	v3 =	vperm.xlane v3, v2;
	_ =	sdelay $0x1  }
0x2d: {  	s13 =	simm.s32 $0x8680;
	v3 =	vadd.s32 v1, v3  }
0x2e: {  	[tilespmem:s13], [sflag:$0x1] =	stream.indirect_vreg.gather [hbm4b:s0+s6], $0x80, v4, vm0, $0xb8;
	[tilespmem:$0x18780] =	vst v63  }
0x2f: {  	s14 =	simm.s32 $0x8E80  }
0x30: {  	[tilespmem:s14], [sflag:$0x1] =	stream.indirect_vreg.gather [hbm4b:s9+s6], $0x80, v4, vm0, $0xb8;
	[tilespmem:$0x18780] =	vst v63  }
0x31: {  	s15 =	simm.s32 $0x9680  }
0x32: {  	[tilespmem:s15], [sflag:$0x1] =	stream.indirect_vreg.gather [hbm4b:s0+s6], $0x80, v3, vm0, $0xb8;
	[tilespmem:$0x18780] =	vst v63  }
0x33: {  	s29 =	simm.s32 $0x9E80  }
0x34: {  	[tilespmem:s29], [sflag:$0x1] =	stream.indirect_vreg.gather [hbm4b:s9+s6], $0x80, v3, vm0, $0xb8;
	[tilespmem:$0x18780] =	vst v63  }
0x35: {  	v3 =	vld [tilespmem:$0x10];
	_ =	sdelay $0x4  }
0x36: {  	v61 =	vshll.u32 v3, $0x2  }
0x37: {  	v3 =	vand.u32 $0x7, v3;
	v4 =	vand.u32 $0xFFFFFFE0, v61  }
0x38: {  	v3 =	vor.u32 v3, v4  }
0x39: {  	v4 =	vperm.xlane v3, v0;
	_ =	sdelay $0x1  }
0x3a: {  	v4 =	vadd.s32 v1, v4;
	_ =	sdelay $0x1  }
0x3b: {  	v3 =	vperm.xlane v3, v2;
	_ =	sdelay $0x1  }
0x3c: {  	s30 =	simm.s32 $0xA680;
	v3 =	vadd.s32 v1, v3  }
0x3d: {  	[tilespmem:s30], [sflag:$0x1] =	stream.indirect_vreg.gather [hbm4b:s0+s6], $0x80, v4, vm0, $0xb8;
	[tilespmem:$0x18780] =	vst v63  }
0x3e: {  	s31 =	simm.s32 $0xAE80  }
0x3f: {  	[tilespmem:s31], [sflag:$0x1] =	stream.indirect_vreg.gather [hbm4b:s9+s6], $0x80, v4, vm0, $0xb8;
	[tilespmem:$0x18780] =	vst v63  }
0x40: {  	s4 =	simm.s32 $0xB680  }
0x41: {  	[tilespmem:s4], [sflag:$0x1] =	stream.indirect_vreg.gather [hbm4b:s0+s6], $0x80, v3, vm0, $0xb8;
	[tilespmem:$0x18780] =	vst v63  }
0x42: {  	s5 =	simm.s32 $0xBE80  }
0x43: {  	[tilespmem:s5], [sflag:$0x1] =	stream.indirect_vreg.gather [hbm4b:s9+s6], $0x80, v3, vm0, $0xb8;
	[tilespmem:$0x18780] =	vst v63  }
0x44: {  	v3 =	vld [tilespmem:$0x20];
	_ =	sdelay $0x4  }
0x45: {  	v62 =	vshll.u32 v3, $0x2  }
0x46: {  	v3 =	vand.u32 $0x7, v3;
	v4 =	vand.u32 $0xFFFFFFE0, v62  }
0x47: {  	v3 =	vor.u32 v3, v4  }
0x48: {  	v4 =	vperm.xlane v3, v0;
	_ =	sdelay $0x1  }
0x49: {  	v4 =	vadd.s32 v1, v4;
	_ =	sdelay $0x1  }
0x4a: {  	v3 =	vperm.xlane v3, v2;
	_ =	sdelay $0x1  }
0x4b: {  	s7 =	simm.s32 $0xC680;
	v3 =	vadd.s32 v1, v3  }
0x4c: {  	[tilespmem:s7], [sflag:$0x1] =	stream.indirect_vreg.gather [hbm4b:s0+s6], $0x80, v4, vm0, $0xb8;
	[tilespmem:$0x18780] =	vst v63  }
0x4d: {  	s8 =	simm.s32 $0xCE80  }
0x4e: {  	[tilespmem:s8], [sflag:$0x1] =	stream.indirect_vreg.gather [hbm4b:s9+s6], $0x80, v4, vm0, $0xb8;
	[tilespmem:$0x18780] =	vst v63  }
0x4f: {  	s10 =	simm.s32 $0xD680  }
0x50: {  	[tilespmem:s10], [sflag:$0x1] =	stream.indirect_vreg.gather [hbm4b:s0+s6], $0x80, v3, vm0, $0xb8;
	[tilespmem:$0x18780] =	vst v63  }
0x51: {  	s13 =	simm.s32 $0xDE80  }
0x52: {  	[tilespmem:s13], [sflag:$0x1] =	stream.indirect_vreg.gather [hbm4b:s9+s6], $0x80, v3, vm0, $0xb8;
	[tilespmem:$0x18780] =	vst v63  }
0x53: {  	v3 =	vld [tilespmem:$0x30];
	_ =	sdelay $0x4  }
0x54: {  	v63 =	vshll.u32 v3, $0x2  }
0x55: {  	v3 =	vand.u32 $0x7, v3;
	v4 =	vand.u32 $0xFFFFFFE0, v63  }
0x56: {  	v3 =	vor.u32 v3, v4  }
0x57: {  	v4 =	vperm.xlane v3, v0;
	_ =	sdelay $0x1  }
0x58: {  	v4 =	vadd.s32 v1, v4;
	_ =	sdelay $0x1  }
0x59: {  	v3 =	vperm.xlane v3, v2;
	_ =	sdelay $0x1  }
0x5a: {  	s14 =	simm.s32 $0xE680;
	v3 =	vadd.s32 v1, v3  }
0x5b: {  	[tilespmem:s14], [sflag:$0x1] =	stream.indirect_vreg.gather [hbm4b:s0+s6], $0x80, v4, vm0, $0xb8;
	[tilespmem:$0x18780] =	vst v63  }
0x5c: {  	s15 =	simm.s32 $0xEE80  }
0x5d: {  	[tilespmem:s15], [sflag:$0x1] =	stream.indirect_vreg.gather [hbm4b:s9+s6], $0x80, v4, vm0, $0xb8;
	[tilespmem:$0x18780] =	vst v63  }
0x5e: {  	s29 =	simm.s32 $0xF680  }
0x5f: {  	[tilespmem:s29], [sflag:$0x1] =	stream.indirect_vreg.gather [hbm4b:s0+s6], $0x80, v3, vm0, $0xb8;
	[tilespmem:$0x18780] =	vst v63  }
0x60: {  	s30 =	simm.s32 $0xFE80  }
0x61: {  	[tilespmem:s30], [sflag:$0x1] =	stream.indirect_vreg.gather [hbm4b:s9+s6], $0x80, v3, vm0, $0xb8;
	[tilespmem:$0x18780] =	vst v63  }
0x62: {  	s28 =	simm.s32 $0x0;
	s31 =	simm.s32 $0x10680  }
0x63: {  	[tilespmem:s31], [sflag:$0x1] =	stream.indirect.gather [hbm4b:s3+s1], $0x1, s6, s1, $0xb8;
	[tilespmem:$0x18780] =	vst v63  }
.LBB2_2:
0x64: {  	s29 =	sshllo.u32 s28, $0x1  }
0x65: {  	s30 =	sshll.u32 s29, $0x7  }
0x66: {  	v3 =	vld [tilespmem:s30+$0x0];
	_ =	sdelay $0x4  }
0x67: {  	v4 =	vshll.u32 v3, $0x2  }
0x68: {  	v3 =	vand.u32 $0x7, v3;
	v4 =	vand.u32 $0xFFFFFFE0, v4  }
0x69: {  	v3 =	vor.u32 v3, v4  }
0x6a: {  	v4 =	vperm.xlane v3, v0;
	_ =	sdelay $0x1  }
0x6b: {  	v4 =	vadd.s32 v1, v4;
	_ =	sdelay $0x1  }
0x6c: {  	v3 =	vperm.xlane v3, v2;
	_ =	sdelay $0x1  }
0x6d: {  	s2 =	simm.s32 $0x0;
	s4 =	simm.s32 $0x10700;
	v3 =	vadd.s32 v1, v3  }
0x6e: {  	[tilespmem:s4], [sflag:$0x2] =	stream.indirect_vreg.gather [hbm4b:s0+s2], $0x80, v4, vm0, $0xb8;
	[tilespmem:$0x18780] =	vst v63  }
0x6f: {  	s15 =	simm.s32 $0x10F00  }
0x70: {  	[tilespmem:s15], [sflag:$0x2] =	stream.indirect_vreg.gather [hbm4b:s9+s2], $0x80, v4, vm0, $0xb8;
	[tilespmem:$0x18780] =	vst v63  }
0x71: {  	s5 =	simm.s32 $0x11700  }
0x72: {  	[tilespmem:s5], [sflag:$0x2] =	stream.indirect_vreg.gather [hbm4b:s0+s2], $0x80, v3, vm0, $0xb8;
	[tilespmem:$0x18780] =	vst v63  }
0x73: {  	s7 =	simm.s32 $0x11F00  }
0x74: {  	[tilespmem:s7], [sflag:$0x2] =	stream.indirect_vreg.gather [hbm4b:s9+s2], $0x80, v3, vm0, $0xb8;
	[tilespmem:$0x18780] =	vst v63  }
0x75: {  	v3 =	vld [tilespmem:s30+$0x10];
	_ =	sdelay $0x4  }
0x76: {  	v4 =	vshll.u32 v3, $0x2  }
0x77: {  	v3 =	vand.u32 $0x7, v3;
	v4 =	vand.u32 $0xFFFFFFE0, v4  }
0x78: {  	v3 =	vor.u32 v3, v4  }
0x79: {  	v4 =	vperm.xlane v3, v0;
	_ =	sdelay $0x1  }
0x7a: {  	v4 =	vadd.s32 v1, v4;
	_ =	sdelay $0x1  }
0x7b: {  	v3 =	vperm.xlane v3, v2;
	_ =	sdelay $0x1  }
0x7c: {  	s8 =	simm.s32 $0x12700;
	v3 =	vadd.s32 v1, v3  }
0x7d: {  	[tilespmem:s8], [sflag:$0x2] =	stream.indirect_vreg.gather [hbm4b:s0+s2], $0x80, v4, vm0, $0xb8;
	[tilespmem:$0x18780] =	vst v63  }
0x7e: {  	s10 =	simm.s32 $0x12F00  }
0x7f: {  	[tilespmem:s10], [sflag:$0x2] =	stream.indirect_vreg.gather [hbm4b:s9+s2], $0x80, v4, vm0, $0xb8;
	[tilespmem:$0x18780] =	vst v63  }
0x80: {  	s13 =	simm.s32 $0x13700  }
0x81: {  	[tilespmem:s13], [sflag:$0x2] =	stream.indirect_vreg.gather [hbm4b:s0+s2], $0x80, v3, vm0, $0xb8;
	[tilespmem:$0x18780] =	vst v63  }
0x82: {  	_ = 	snop  }
0x83: {  	[tilespmem:s11], [sflag:$0x2] =	stream.indirect_vreg.gather [hbm4b:s9+s2], $0x80, v3, vm0, $0xb8;
	[tilespmem:$0x18780] =	vst v63  }
0x84: {  	v3 =	vld [tilespmem:s30+$0x20];
	_ =	sdelay $0x4  }
0x85: {  	v4 =	vshll.u32 v3, $0x2  }
0x86: {  	v3 =	vand.u32 $0x7, v3;
	v4 =	vand.u32 $0xFFFFFFE0, v4  }
0x87: {  	v3 =	vor.u32 v3, v4  }
0x88: {  	v4 =	vperm.xlane v3, v0;
	_ =	sdelay $0x1  }
0x89: {  	v4 =	vadd.s32 v1, v4;
	_ =	sdelay $0x1  }
0x8a: {  	v3 =	vperm.xlane v3, v2;
	_ =	sdelay $0x1  }
0x8b: {  	v3 =	vadd.s32 v1, v3  }
0x8c: {  	[tilespmem:s12], [sflag:$0x2] =	stream.indirect_vreg.gather [hbm4b:s0+s2], $0x80, v4, vm0, $0xb8;
	[tilespmem:$0x18780] =	vst v63  }
0x8d: {  	_ = 	snop  }
0x8e: {  	[tilespmem:s16], [sflag:$0x2] =	stream.indirect_vreg.gather [hbm4b:s9+s2], $0x80, v4, vm0, $0xb8;
	[tilespmem:$0x18780] =	vst v63  }
0x8f: {  	_ = 	snop  }
0x90: {  	[tilespmem:s17], [sflag:$0x2] =	stream.indirect_vreg.gather [hbm4b:s0+s2], $0x80, v3, vm0, $0xb8;
	[tilespmem:$0x18780] =	vst v63  }
0x91: {  	_ = 	snop  }
0x92: {  	[tilespmem:s18], [sflag:$0x2] =	stream.indirect_vreg.gather [hbm4b:s9+s2], $0x80, v3, vm0, $0xb8;
	[tilespmem:$0x18780] =	vst v63  }
0x93: {  	v3 =	vld [tilespmem:s30+$0x30];
	_ =	sdelay $0x4  }
0x94: {  	v4 =	vshll.u32 v3, $0x2  }
0x95: {  	v3 =	vand.u32 $0x7, v3;
	v4 =	vand.u32 $0xFFFFFFE0, v4  }
0x96: {  	v3 =	vor.u32 v3, v4  }
0x97: {  	v4 =	vperm.xlane v3, v0;
	_ =	sdelay $0x1  }
0x98: {  	v4 =	vadd.s32 v1, v4;
	_ =	sdelay $0x1  }
0x99: {  	v3 =	vperm.xlane v3, v2;
	_ =	sdelay $0x1  }
0x9a: {  	v3 =	vadd.s32 v1, v3  }
0x9b: {  	[tilespmem:s19], [sflag:$0x2] =	stream.indirect_vreg.gather [hbm4b:s0+s2], $0x80, v4, vm0, $0xb8;
	[tilespmem:$0x18780] =	vst v63  }
0x9c: {  	_ = 	snop  }
0x9d: {  	[tilespmem:s20], [sflag:$0x2] =	stream.indirect_vreg.gather [hbm4b:s9+s2], $0x80, v4, vm0, $0xb8;
	[tilespmem:$0x18780] =	vst v63  }
0x9e: {  	_ = 	snop  }
0x9f: {  	[tilespmem:s21], [sflag:$0x2] =	stream.indirect_vreg.gather [hbm4b:s0+s2], $0x80, v3, vm0, $0xb8;
	[tilespmem:$0x18780] =	vst v63  }
0xa0: {  	_ = 	snop  }
0xa1: {  	[tilespmem:s22], [sflag:$0x2] =	stream.indirect_vreg.gather [hbm4b:s9+s2], $0x80, v3, vm0, $0xb8;
	[tilespmem:$0x18780] =	vst v63  }
0xa2: {  	_ = 	snop  }
0xa3: {  	[tilespmem:s23], [sflag:$0x2] =	stream.indirect.gather [hbm4b:s3+s1], $0x1, s30, s1, $0xb8;
	[tilespmem:$0x18780] =	vst v63  }
0xa4: {  	_ =	swait.ge [sflag:s24], $0x8000  }
0xa5: {  	[sflag:s24] =	ssyncset.done $0x0  }
0xa6: {  	[sflag:s24] =	ssyncadd.s32 $0xFFFF8000  }
0xa7: {  	s14 =	sshll.u32 s28, $0xA;
	_ =	swait.ge [sflag:s24], $0x40  }
0xa8: {  	s31 =	sshrl.u32 s14, $0x2;
	[sflag:s24] =	ssyncset.done $0x0  }
0xa9: {  	s15 =	sand.u32 $0x70, s2;
	s5 =	sand.u32 $0xC00, s2;
	[sflag:s24] =	ssyncadd.s32 $0xFFFFFFC0  }
0xaa: {  	s5 =	sor.u32 s15, s5;
	v3 =	vld [tilespmem:s31+$0x4000]  }
0xab: {  	v4 =	vld [tilespmem:s5+$0x8680]  }
0xac: {  	v5 =	vld [tilespmem:s5+$0xC680]  }
0xad: {  	v6 =	vld [tilespmem:s5+$0x8700]  }
0xae: {  	v7 =	vld [tilespmem:s5+$0xC700]  }
0xaf: {  	v8 =	vld [tilespmem:s5+$0x8780]  }
0xb0: {  	v9 =	vld [tilespmem:s5+$0xC780]  }
0xb1: {  	v10 =	vld [tilespmem:s5+$0x8800]  }
0xb2: {  	v11 =	vld [tilespmem:s5+$0xC800]  }
0xb3: {  	v4 =	vadd.f32 v6, v4;
	v5 =	vadd.f32 v7, v5;
	v6 =	vld [tilespmem:s5+$0x8880]  }
0xb4: {  	v7 =	vld [tilespmem:s5+$0xC880]  }
0xb5: {  	v4 =	vadd.f32 v8, v4;
	v5 =	vadd.f32 v9, v5;
	v8 =	vld [tilespmem:s5+$0x8900]  }
0xb6: {  	v9 =	vld [tilespmem:s5+$0xC900]  }
0xb7: {  	v4 =	vadd.f32 v10, v4;
	v5 =	vadd.f32 v11, v5;
	v10 =	vld [tilespmem:s5+$0x8980]  }
0xb8: {  	v11 =	vld [tilespmem:s5+$0xC980]  }
0xb9: {  	v4 =	vadd.f32 v6, v4;
	v5 =	vadd.f32 v7, v5;
	v6 =	vld [tilespmem:s5+$0x8A00]  }
0xba: {  	v7 =	vld [tilespmem:s5+$0xCA00]  }
0xbb: {  	v4 =	vadd.f32 v8, v4;
	v5 =	vadd.f32 v9, v5;
	v8 =	vld [tilespmem:s5+$0x9680]  }
0xbc: {  	v9 =	vld [tilespmem:s5+$0xD680]  }
0xbd: {  	v4 =	vadd.f32 v10, v4;
	v5 =	vadd.f32 v11, v5;
	v10 =	vld [tilespmem:s5+$0x9700]  }
0xbe: {  	v11 =	vld [tilespmem:s5+$0xD700]  }
0xbf: {  	v4 =	vadd.f32 v6, v4;
	v5 =	vadd.f32 v7, v5;
	v6 =	vld [tilespmem:s5+$0x9780]  }
0xc0: {  	v7 =	vld [tilespmem:s5+$0xD780]  }
0xc1: {  	v4 =	vadd.f32 v8, v4;
	v5 =	vadd.f32 v9, v5;
	v8 =	vld [tilespmem:s5+$0x9800]  }
0xc2: {  	v9 =	vld [tilespmem:s5+$0xD800]  }
0xc3: {  	v4 =	vadd.f32 v10, v4;
	v5 =	vadd.f32 v11, v5;
	v10 =	vld [tilespmem:s5+$0x9880]  }
0xc4: {  	v11 =	vld [tilespmem:s5+$0xD880]  }
0xc5: {  	v4 =	vadd.f32 v6, v4;
	v5 =	vadd.f32 v7, v5;
	v6 =	vld [tilespmem:s5+$0x9900]  }
0xc6: {  	v7 =	vld [tilespmem:s5+$0xD900]  }
0xc7: {  	v4 =	vadd.f32 v8, v4;
	v5 =	vadd.f32 v9, v5;
	v8 =	vld [tilespmem:s5+$0x9980]  }
0xc8: {  	v9 =	vld [tilespmem:s5+$0xD980]  }
0xc9: {  	v4 =	vadd.f32 v10, v4;
	v5 =	vadd.f32 v11, v5;
	v10 =	vld [tilespmem:s5+$0x9A00]  }
0xca: {  	v11 =	vld [tilespmem:s5+$0xDA00]  }
0xcb: {  	v4 =	vadd.f32 v6, v4;
	v5 =	vadd.f32 v7, v5;
	v6 =	vld [tilespmem:s5+$0xA680]  }
0xcc: {  	v7 =	vld [tilespmem:s5+$0xE680]  }
0xcd: {  	v4 =	vadd.f32 v8, v4;
	v5 =	vadd.f32 v9, v5;
	v8 =	vld [tilespmem:s5+$0xA700]  }
0xce: {  	v9 =	vld [tilespmem:s5+$0xE700]  }
0xcf: {  	v4 =	vadd.f32 v10, v4;
	v5 =	vadd.f32 v11, v5;
	v10 =	vld [tilespmem:s5+$0xA780]  }
0xd0: {  	v11 =	vld [tilespmem:s5+$0xE780]  }
0xd1: {  	v4 =	vadd.f32 v6, v4;
	v5 =	vadd.f32 v7, v5;
	v6 =	vld [tilespmem:s5+$0xA800]  }
0xd2: {  	v7 =	vld [tilespmem:s5+$0xE800]  }
0xd3: {  	v4 =	vadd.f32 v8, v4;
	v5 =	vadd.f32 v9, v5;
	v8 =	vld [tilespmem:s5+$0xA880]  }
0xd4: {  	v9 =	vld [tilespmem:s5+$0xE880]  }
0xd5: {  	v4 =	vadd.f32 v10, v4;
	v5 =	vadd.f32 v11, v5;
	v10 =	vld [tilespmem:s5+$0xA900]  }
0xd6: {  	v11 =	vld [tilespmem:s5+$0xE900]  }
0xd7: {  	v4 =	vadd.f32 v6, v4;
	v5 =	vadd.f32 v7, v5;
	v6 =	vld [tilespmem:s5+$0xA980]  }
0xd8: {  	v7 =	vld [tilespmem:s5+$0xE980]  }
0xd9: {  	v4 =	vadd.f32 v8, v4;
	v5 =	vadd.f32 v9, v5;
	v8 =	vld [tilespmem:s5+$0xAA00]  }
0xda: {  	v9 =	vld [tilespmem:s5+$0xEA00]  }
0xdb: {  	v4 =	vadd.f32 v10, v4;
	v5 =	vadd.f32 v11, v5;
	v10 =	vld [tilespmem:s5+$0xB680]  }
0xdc: {  	(v2sf) =	vpush v3, $0x0;
	v11 =	vld [tilespmem:s5+$0xF680]  }
0xdd: {  	v4 =	vadd.f32 v6, v4;
	v5 =	vadd.f32 v7, v5;
	v6 =	vld [tilespmem:s5+$0xB700]  }
0xde: {  	v7 =	vld [tilespmem:s5+$0xF700]  }
0xdf: {  	v4 =	vadd.f32 v8, v4;
	v5 =	vadd.f32 v9, v5;
	v8 =	vld [tilespmem:s5+$0xB780]  }
0xe0: {  	v9 =	vld [tilespmem:s5+$0xF780]  }
0xe1: {  	v4 =	vadd.f32 v10, v4;
	v5 =	vadd.f32 v11, v5;
	v10 =	vld [tilespmem:s5+$0xB800]  }
0xe2: {  	v11 =	vld [tilespmem:s5+$0xF800]  }
0xe3: {  	v4 =	vadd.f32 v6, v4;
	v5 =	vadd.f32 v7, v5;
	v6 =	vld [tilespmem:s5+$0xB880]  }
0xe4: {  	v7 =	vld [tilespmem:s5+$0xF880]  }
0xe5: {  	v4 =	vadd.f32 v8, v4;
	v5 =	vadd.f32 v9, v5;
	v8 =	vld [tilespmem:s5+$0xB900]  }
0xe6: {  	v9 =	vld [tilespmem:s5+$0xF900]  }
0xe7: {  	v4 =	vadd.f32 v10, v4;
	v5 =	vadd.f32 v11, v5;
	v10 =	vld [tilespmem:s5+$0xB980]  }
0xe8: {  	v11 =	vld [tilespmem:s5+$0xF980]  }
0xe9: {  	s14 =	simm.s32 $0x8000;
	v14 =	vld [tilespmem:s5+$0xBA00];
	v4 =	vadd.f32 v6, v4;
	v5 =	vadd.f32 v7, v5  }
0xea: {  	s7 =	simm.s32 $0x80;
	s13 =	simm.s32 $0x8200;
	v15 =	vld [tilespmem:s5+$0xFA00];
	s5 =	simm.s32 $0x10  }
0xeb: {  	s10 =	sand.u32 $0xC00, s7;
	s4 =	spop (v2sf);
	s15 =	sand.u32 $0x70, s5;
	v7 =	vld [tilespmem:s13+$0x0];
	v4 =	vadd.f32 v8, v4;
	v5 =	vadd.f32 v9, v5  }
0xec: {  	s8 =	ssub.f32 $1.000000000e+00, s4;
	s15 =	sor.u32 s15, s10;
	v9 =	vld [tilespmem:s14+$0x0]  }
0xed: {  	v12 =	vld [tilespmem:s15+$0x8680];
	v4 =	vadd.f32 v10, v4;
	v11 =	vadd.f32 v11, v5  }
0xee: {  	s2 =	sand.u32 $0x1F0, s2;
	v6 =	vbroadcast v3, $0x0;
	v3 =	vimm.f32 $0.0e+00;
	v13 =	vld [tilespmem:s15+$0xC680];
	v5 =	vmov s8  }
0xef: {  	v8 =	vld [tilespmem:s2+$0x8400];
	s2 =	sshll.u32 s28, $0x1;
	s8 =	simm.s32 $0x20;
	v10 =	vadd.f32 v14, v4;
	v11 =	vadd.f32 v15, v11;
	v4 =	vimm.f32 $0.0e+00  }
.LBB2_3:
0xf0: {  	p0 =	sne.s32 s8, $0x1F0;
	v14 =	vld [tilespmem:s15+$0x8700]  }
0xf1: {  	v15 =	vld [tilespmem:s15+$0xC700];
	v10 =	vadd.f32 v9, v10;
	v9 =	vadd.f32 v9, v11  }
0xf2: {  	v11 =	vld [tilespmem:s15+$0x8780]  }
0xf3: {  	v16 =	vld [tilespmem:s15+$0xC780];
	v17 =	vmul.f32 v10, v6;
	v18 =	vmul.f32 v9, v5  }
0xf4: {  	v10 =	vmul.f32 v10, v5;
	v9 =	vmul.f32 v9, v6;
	v19 =	vld [tilespmem:s15+$0x8800]  }
0xf5: {  	v20 =	vld [tilespmem:s15+$0xC800];
	v17 =	vadd.f32 v18, v17  }
0xf6: {  	v12 =	vadd.f32 v14, v12;
	v13 =	vadd.f32 v15, v13;
	v14 =	vld [tilespmem:s15+$0x8880]  }
0xf7: {  	v9 =	vadd.f32 v9, v10;
	v15 =	vld [tilespmem:s15+$0xC880];
	v10 =	vmax.f32 v17, $0.0e+00  }
0xf8: {  	v11 =	vadd.f32 v11, v12;
	v12 =	vadd.f32 v16, v13;
	v13 =	vld [tilespmem:s15+$0x8900];
	v10 =	vmin.f32 v10, $1.000000000e+00  }
0xf9: {  	v9 =	vmax.f32 v9, $0.0e+00;
	v16 =	vld [tilespmem:s15+$0xC900];
	v10 =	vmul.f32 v10, v10  }
0xfa: {  	v9 =	vmin.f32 v9, $1.000000000e+00;
	v11 =	vadd.f32 v19, v11;
	v12 =	vadd.f32 v20, v12;
	v17 =	vld [tilespmem:s15+$0x8980]  }
0xfb: {  	v9 =	vmul.f32 v9, v9;
	v18 =	vld [tilespmem:s15+$0xC980];
	v8 =	vmul.f32 v10, v8  }
0xfc: {  	v10 =	vadd.f32 v14, v11;
	v11 =	vadd.f32 v15, v12;
	v12 =	vld [tilespmem:s15+$0x8A00]  }
0xfd: {  	v7 =	vmul.f32 v9, v7;
	v14 =	vld [tilespmem:s15+$0xCA00];
	v3 =	vadd.f32 v8, v3  }
0xfe: {  	v8 =	vadd.f32 v13, v10;
	v9 =	vadd.f32 v16, v11;
	v10 =	vld [tilespmem:s15+$0x9680]  }
0xff: {  	v4 =	vadd.f32 v7, v4;
	v11 =	vld [tilespmem:s15+$0xD680]  }
0x100: {  	v7 =	vadd.f32 v17, v8;
	v8 =	vadd.f32 v18, v9;
	v9 =	vld [tilespmem:s15+$0x9700]  }
0x101: {  	v13 =	vld [tilespmem:s15+$0xD700]  }
0x102: {  	v7 =	vadd.f32 v12, v7;
	v8 =	vadd.f32 v14, v8;
	v12 =	vld [tilespmem:s15+$0x9780]  }
0x103: {  	v14 =	vld [tilespmem:s15+$0xD780]  }
0x104: {  	v7 =	vadd.f32 v10, v7;
	v8 =	vadd.f32 v11, v8;
	v10 =	vld [tilespmem:s15+$0x9800]  }
0x105: {  	v11 =	vld [tilespmem:s15+$0xD800]  }
0x106: {  	v7 =	vadd.f32 v9, v7;
	v8 =	vadd.f32 v13, v8;
	v9 =	vld [tilespmem:s15+$0x9880]  }
0x107: {  	v13 =	vld [tilespmem:s15+$0xD880]  }
0x108: {  	v7 =	vadd.f32 v12, v7;
	v8 =	vadd.f32 v14, v8;
	v12 =	vld [tilespmem:s15+$0x9900]  }
0x109: {  	v14 =	vld [tilespmem:s15+$0xD900]  }
0x10a: {  	v7 =	vadd.f32 v10, v7;
	v8 =	vadd.f32 v11, v8;
	v10 =	vld [tilespmem:s15+$0x9980]  }
0x10b: {  	v11 =	vld [tilespmem:s15+$0xD980]  }
0x10c: {  	v7 =	vadd.f32 v9, v7;
	v8 =	vadd.f32 v13, v8;
	v9 =	vld [tilespmem:s15+$0x9A00]  }
0x10d: {  	v13 =	vld [tilespmem:s15+$0xDA00]  }
0x10e: {  	v7 =	vadd.f32 v12, v7;
	v8 =	vadd.f32 v14, v8;
	v12 =	vld [tilespmem:s15+$0xA680]  }
0x10f: {  	v14 =	vld [tilespmem:s15+$0xE680]  }
0x110: {  	v7 =	vadd.f32 v10, v7;
	v8 =	vadd.f32 v11, v8;
	v10 =	vld [tilespmem:s15+$0xA700]  }
0x111: {  	v11 =	vld [tilespmem:s15+$0xE700]  }
0x112: {  	v7 =	vadd.f32 v9, v7;
	v8 =	vadd.f32 v13, v8;
	v9 =	vld [tilespmem:s15+$0xA780]  }
0x113: {  	v13 =	vld [tilespmem:s15+$0xE780]  }
0x114: {  	v7 =	vadd.f32 v12, v7;
	v8 =	vadd.f32 v14, v8;
	v12 =	vld [tilespmem:s15+$0xA800]  }
0x115: {  	v14 =	vld [tilespmem:s15+$0xE800]  }
0x116: {  	v7 =	vadd.f32 v10, v7;
	v8 =	vadd.f32 v11, v8;
	v10 =	vld [tilespmem:s15+$0xA880]  }
0x117: {  	v11 =	vld [tilespmem:s15+$0xE880]  }
0x118: {  	v7 =	vadd.f32 v9, v7;
	v8 =	vadd.f32 v13, v8;
	v9 =	vld [tilespmem:s15+$0xA900]  }
0x119: {  	v13 =	vld [tilespmem:s15+$0xE900]  }
0x11a: {  	v7 =	vadd.f32 v12, v7;
	v8 =	vadd.f32 v14, v8;
	v12 =	vld [tilespmem:s15+$0xA980]  }
0x11b: {  	v14 =	vld [tilespmem:s15+$0xE980]  }
0x11c: {  	v7 =	vadd.f32 v10, v7;
	v8 =	vadd.f32 v11, v8;
	v10 =	vld [tilespmem:s15+$0xAA00]  }
0x11d: {  	v11 =	vld [tilespmem:s15+$0xEA00]  }
0x11e: {  	v7 =	vadd.f32 v9, v7;
	v8 =	vadd.f32 v13, v8;
	v9 =	vld [tilespmem:s15+$0xB680]  }
0x11f: {  	v13 =	vld [tilespmem:s15+$0xF680]  }
0x120: {  	v7 =	vadd.f32 v12, v7;
	v8 =	vadd.f32 v14, v8;
	v12 =	vld [tilespmem:s15+$0xB700]  }
0x121: {  	v14 =	vld [tilespmem:s15+$0xF700]  }
0x122: {  	v7 =	vadd.f32 v10, v7;
	v8 =	vadd.f32 v11, v8;
	v10 =	vld [tilespmem:s15+$0xB780]  }
0x123: {  	v11 =	vld [tilespmem:s15+$0xF780]  }
0x124: {  	v7 =	vadd.f32 v9, v7;
	v8 =	vadd.f32 v13, v8;
	v9 =	vld [tilespmem:s15+$0xB800]  }
0x125: {  	v13 =	vld [tilespmem:s15+$0xF800]  }
0x126: {  	v7 =	vadd.f32 v12, v7;
	v8 =	vadd.f32 v14, v8;
	v12 =	vld [tilespmem:s15+$0xB880]  }
0x127: {  	v14 =	vld [tilespmem:s15+$0xF880]  }
0x128: {  	v7 =	vadd.f32 v10, v7;
	v8 =	vadd.f32 v11, v8;
	v10 =	vld [tilespmem:s15+$0xB900]  }
0x129: {  	v11 =	vld [tilespmem:s15+$0xF900]  }
0x12a: {  	v7 =	vadd.f32 v9, v7;
	v8 =	vadd.f32 v13, v8;
	v13 =	vld [tilespmem:s15+$0xB980]  }
0x12b: {  	v15 =	vld [tilespmem:s15+$0xF980]  }
0x12c: {  	v7 =	vadd.f32 v12, v7;
	v8 =	vadd.f32 v14, v8;
	v14 =	vld [tilespmem:s15+$0xBA00]  }
0x12d: {  	s13 =	sadd.s32 $0x10, s13;
	v16 =	vld [tilespmem:s15+$0xFA00]  }
.Ltmp0:
0x12e: {  	s7 =	sadd.s32 $0x80, s7;
	s14 =	sadd.s32 $0x10, s14;
	v10 =	vadd.f32 v10, v7;
	v8 =	vadd.f32 v11, v8;
	v7 =	vld [tilespmem:s13+$0x0];
	(pc) =	sbr.rel @p0 .LBB2_3-.Ltmp0, $4  }
0x12f: {  	s10 =	sand.u32 $0x70, s8;
	s5 =	sand.u32 $0x1F0, s5;
	s15 =	sand.u32 $0xC00, s7;
	v9 =	vld [tilespmem:s14+$0x0]  }
0x130: {  	s15 =	sor.u32 s10, s15;
	v10 =	vadd.f32 v13, v10;
	v11 =	vadd.f32 v15, v8;
	v8 =	vld [tilespmem:s5+$0x8400];
	s5 =	smov.u32 s8  }
0x131: {  	v12 =	vld [tilespmem:s15+$0x8680]  }
0x132: {  	s8 =	sadd.s32 $0x10, s8;
	v10 =	vadd.f32 v14, v10;
	v13 =	vld [tilespmem:s15+$0xC680];
	v11 =	vadd.f32 v16, v11  }
0x133: {  	v14 =	vld [tilespmem:s15+$0x8700]  }
0x134: {  	v15 =	vld [tilespmem:s15+$0xC700]  }
0x135: {  	v16 =	vld [tilespmem:s15+$0x8780]  }
0x136: {  	v17 =	vld [tilespmem:s15+$0xC780]  }
0x137: {  	v18 =	vld [tilespmem:s15+$0x8800]  }
0x138: {  	v19 =	vld [tilespmem:s15+$0xC800]  }
0x139: {  	v28 =	vld [tilespmem:s15+$0x8880];
	v12 =	vadd.f32 v14, v12;
	v13 =	vadd.f32 v15, v13  }
0x13a: {  	v29 =	vld [tilespmem:s15+$0xC880]  }
0x13b: {  	v30 =	vld [tilespmem:s15+$0x8900];
	v12 =	vadd.f32 v16, v12;
	v13 =	vadd.f32 v17, v13  }
0x13c: {  	v31 =	vld [tilespmem:s15+$0xC900]  }
0x13d: {  	v32 =	vld [tilespmem:s15+$0x8980];
	v12 =	vadd.f32 v18, v12;
	v13 =	vadd.f32 v19, v13  }
0x13e: {  	v33 =	vld [tilespmem:s15+$0xC980]  }
0x13f: {  	v34 =	vld [tilespmem:s15+$0x8A00];
	v12 =	vadd.f32 v28, v12;
	v13 =	vadd.f32 v29, v13  }
0x140: {  	v35 =	vld [tilespmem:s15+$0xCA00]  }
0x141: {  	v36 =	vld [tilespmem:s15+$0x9680];
	v12 =	vadd.f32 v30, v12;
	v13 =	vadd.f32 v31, v13  }
0x142: {  	v37 =	vld [tilespmem:s15+$0xD680]  }
0x143: {  	v38 =	vld [tilespmem:s15+$0x9700];
	v12 =	vadd.f32 v32, v12;
	v13 =	vadd.f32 v33, v13  }
0x144: {  	v39 =	vld [tilespmem:s15+$0xD700]  }
0x145: {  	v40 =	vld [tilespmem:s15+$0x9780];
	v12 =	vadd.f32 v34, v12;
	v13 =	vadd.f32 v35, v13  }
0x146: {  	v41 =	vld [tilespmem:s15+$0xD780]  }
0x147: {  	v42 =	vld [tilespmem:s15+$0x9800];
	v12 =	vadd.f32 v36, v12;
	v13 =	vadd.f32 v37, v13  }
0x148: {  	v43 =	vld [tilespmem:s15+$0xD800]  }
0x149: {  	v44 =	vld [tilespmem:s15+$0x9880];
	v12 =	vadd.f32 v38, v12;
	v13 =	vadd.f32 v39, v13  }
0x14a: {  	v45 =	vld [tilespmem:s15+$0xD880]  }
0x14b: {  	v46 =	vld [tilespmem:s15+$0x9900];
	v12 =	vadd.f32 v40, v12;
	v13 =	vadd.f32 v41, v13  }
0x14c: {  	v47 =	vld [tilespmem:s15+$0xD900]  }
0x14d: {  	v48 =	vld [tilespmem:s15+$0x9980];
	v12 =	vadd.f32 v42, v12;
	v13 =	vadd.f32 v43, v13  }
0x14e: {  	v49 =	vld [tilespmem:s15+$0xD980]  }
0x14f: {  	v50 =	vld [tilespmem:s15+$0x9A00];
	v12 =	vadd.f32 v44, v12;
	v13 =	vadd.f32 v45, v13  }
0x150: {  	v51 =	vld [tilespmem:s15+$0xDA00]  }
0x151: {  	v52 =	vld [tilespmem:s15+$0xA680];
	v12 =	vadd.f32 v46, v12;
	v13 =	vadd.f32 v47, v13  }
0x152: {  	v53 =	vld [tilespmem:s15+$0xE680]  }
0x153: {  	v54 =	vld [tilespmem:s15+$0xA700];
	v12 =	vadd.f32 v48, v12;
	v13 =	vadd.f32 v49, v13  }
0x154: {  	v55 =	vld [tilespmem:s15+$0xE700]  }
0x155: {  	v56 =	vld [tilespmem:s15+$0xA780];
	v12 =	vadd.f32 v50, v12;
	v13 =	vadd.f32 v51, v13  }
0x156: {  	v57 =	vld [tilespmem:s15+$0xE780]  }
0x157: {  	v58 =	vld [tilespmem:s15+$0xA800];
	v12 =	vadd.f32 v52, v12;
	v13 =	vadd.f32 v53, v13  }
0x158: {  	v59 =	vld [tilespmem:s15+$0xE800]  }
0x159: {  	v60 =	vld [tilespmem:s15+$0xA880];
	v12 =	vadd.f32 v54, v12;
	v13 =	vadd.f32 v55, v13  }
0x15a: {  	v61 =	vld [tilespmem:s15+$0xE880]  }
0x15b: {  	v62 =	vld [tilespmem:s15+$0xA900];
	v12 =	vadd.f32 v56, v12;
	v13 =	vadd.f32 v57, v13  }
0x15c: {  	v63 =	vld [tilespmem:s15+$0xE900]  }
0x15d: {  	v21 =	vld [tilespmem:s15+$0xA980];
	v12 =	vadd.f32 v58, v12;
	v13 =	vadd.f32 v59, v13  }
0x15e: {  	v22 =	vld [tilespmem:s15+$0xE980]  }
0x15f: {  	v23 =	vld [tilespmem:s15+$0xAA00];
	v12 =	vadd.f32 v60, v12;
	v13 =	vadd.f32 v61, v13  }
0x160: {  	v24 =	vld [tilespmem:s15+$0xEA00]  }
0x161: {  	v25 =	vld [tilespmem:s15+$0xB680];
	v12 =	vadd.f32 v62, v12;
	v13 =	vadd.f32 v63, v13  }
0x162: {  	v26 =	vld [tilespmem:s15+$0xF680]  }
0x163: {  	v27 =	vld [tilespmem:s15+$0xB700];
	v12 =	vadd.f32 v21, v12;
	v13 =	vadd.f32 v22, v13  }
0x164: {  	v28 =	vld [tilespmem:s15+$0xF700]  }
0x165: {  	v29 =	vld [tilespmem:s15+$0xB780];
	v12 =	vadd.f32 v23, v12;
	v13 =	vadd.f32 v24, v13  }
0x166: {  	v30 =	vld [tilespmem:s15+$0xF780]  }
0x167: {  	v31 =	vld [tilespmem:s15+$0xB800];
	v12 =	vadd.f32 v25, v12;
	v13 =	vadd.f32 v26, v13  }
0x168: {  	v32 =	vld [tilespmem:s15+$0xF800]  }
0x169: {  	v33 =	vld [tilespmem:s15+$0xB880];
	v12 =	vadd.f32 v27, v12;
	v13 =	vadd.f32 v28, v13  }
0x16a: {  	v34 =	vld [tilespmem:s15+$0xF880]  }
0x16b: {  	v35 =	vld [tilespmem:s15+$0xB900];
	v12 =	vadd.f32 v29, v12;
	v13 =	vadd.f32 v30, v13  }
0x16c: {  	v36 =	vld [tilespmem:s15+$0xF900]  }
0x16d: {  	v37 =	vld [tilespmem:s15+$0xB980];
	v12 =	vadd.f32 v31, v12;
	v13 =	vadd.f32 v32, v13  }
0x16e: {  	v38 =	vld [tilespmem:s15+$0xF980]  }
0x16f: {  	v39 =	vld [tilespmem:s15+$0xBA00];
	v12 =	vadd.f32 v33, v12;
	v13 =	vadd.f32 v34, v13  }
0x170: {  	v40 =	vld [tilespmem:s15+$0xFA00]  }
0x171: {  	s7 =	sadd.s32 $0x10, s14;
	v12 =	vadd.f32 v35, v12;
	v13 =	vadd.f32 v36, v13  }
0x172: {  	v41 =	vld [tilespmem:s7+$0x0]  }
0x173: {  	v12 =	vadd.f32 v37, v12;
	v13 =	vadd.f32 v38, v13  }
0x174: {  	v10 =	vadd.f32 v9, v10;
	v42 =	vadd.f32 v9, v11  }
0x175: {  	v43 =	vadd.f32 v39, v12;
	v44 =	vadd.f32 v40, v13  }
0x176: {  	v45 =	vmul.f32 v10, v5  }
0x177: {  	v46 =	vmul.f32 v42, v6;
	v11 =	vadd.f32 v41, v43;
	v12 =	vadd.f32 v41, v44  }
0x178: {  	v10 =	vmul.f32 v10, v6;
	v9 =	vmul.f32 v42, v5  }
0x179: {  	s10 =	sadd.s32 $0x10, s13;
	v13 =	vadd.f32 v46, v45;
	v47 =	vmul.f32 v11, v5;
	v48 =	vmul.f32 v12, v6  }
0x17a: {  	v9 =	vadd.f32 v9, v10;
	v49 =	vld [tilespmem:s10+$0x0];
	v50 =	vmul.f32 v11, v6;
	v51 =	vmul.f32 v12, v5  }
0x17b: {  	v54 =	vld [tilespmem:$0x10680];
	v52 =	vmax.f32 v13, $0.0e+00;
	v53 =	vadd.f32 v48, v47  }
0x17c: {  	s5 =	sand.u32 $0x1F0, s5;
	v9 =	vmax.f32 v9, $0.0e+00;
	v55 =	vld [tilespmem:$0x10690];
	v11 =	vmin.f32 v52, $1.000000000e+00;
	v5 =	vadd.f32 v51, v50  }
0x17d: {  	v9 =	vmin.f32 v9, $1.000000000e+00;
	v56 =	vld [tilespmem:s5+$0x8400];
	v11 =	vmul.f32 v11, v11;
	v12 =	vmax.f32 v53, $0.0e+00  }
0x17e: {  	v9 =	vmul.f32 v9, v9;
	v57 =	vld [tilespmem:$0x106A0];
	v5 =	vmax.f32 v5, $0.0e+00;
	v12 =	vmin.f32 v12, $1.000000000e+00  }
0x17f: {  	v7 =	vmul.f32 v11, v7;
	v5 =	vmin.f32 v5, $1.000000000e+00;
	v58 =	vmul.f32 v12, v12  }
0x180: {  	v8 =	vmul.f32 v9, v8;
	v59 =	vld [tilespmem:$0x106B0];
	v5 =	vmul.f32 v5, v5  }
0x181: {  	v6 =	vadd.f32 v55, v54;
	v4 =	vadd.f32 v7, v4;
	v60 =	vmul.f32 v58, v49  }
0x182: {  	v3 =	vadd.f32 v8, v3;
	v5 =	vmul.f32 v5, v56  }
0x183: {  	v6 =	vsub.f32 v6, v57;
	v4 =	vadd.f32 v60, v4  }
0x184: {  	v3 =	vadd.f32 v5, v3  }
0x185: {  	v61 =	vsub.f32 v6, v59;
	(xrf2) =	vadd.scan.msk.f32 $0xffff, v4  }
0x186: {  	(xrf2) =	vadd.scan.msk.f32 $0xffff, v3  }
0x187: {  	(xrf2) =	vadd.scan.msk.f32 $0xffff, v61;
	_ =	sdelay $0x7  }
0x188: {  	v3, _, _ =	vpop (xrf2)  }
0x189: {  	v62, _, _ =	vpop (xrf2);
	(v2sf) =	vpush v3, $0xF  }
0x18a: {  	(v2sf) =	vpush v62, $0xF;
	v3, _, _ =	vpop (xrf2)  }
0x18b: {  	(v2sf) =	vpush v3, $0xF;
	_ =	sdelay $0xc  }
0x18c: {  	v3 =	vmov s2;
	s13 =	spop (v2sf)  }
0x18d: {  	s4 =	ssub.f32 $5.000000000e-01, s4;
	v3 =	vand.u32 $0xFFFFFFFE, v3;
	s14 =	spop (v2sf)  }
0x18e: {  	v3 =	vbroadcast v3, $0x0;
	s15 =	spop (v2sf)  }
0x18f: {  	p0 =	seq.s32 s28, $0x3F;
	s2 =	sadd.f32 s14, s13;
	s4 =	smul.f32 s15, s4  }
.Ltmp1:
0x190: {  	_ = 	snop;
	(pc) =	sbr.rel @p0 .LBB2_6-.Ltmp1, $3  }
0x191: {  	s2 =	sadd.f32 s4, s2;
	_ =	sdelay $0x1  }
0x192: {  	v63 =	vmov s2  }
0x193: {  	[tilespmem:v3+s25+$0x0] =	vst.idx.msk $0x1, v63  }
0x194: {  	v3 =	vld [tilespmem:s31+$0x100];
	_ =	sdelay $0x4  }
0x195: {  	v4 =	vshll.u32 v3, $0x2  }
0x196: {  	v3 =	vand.u32 $0x7, v3;
	v4 =	vand.u32 $0xFFFFFFE0, v4  }
0x197: {  	v3 =	vor.u32 v3, v4  }
0x198: {  	v4 =	vperm.xlane v3, v0;
	_ =	sdelay $0x1  }
0x199: {  	v4 =	vadd.s32 v1, v4;
	_ =	sdelay $0x1  }
0x19a: {  	v3 =	vperm.xlane v3, v2;
	_ =	sdelay $0x1  }
0x19b: {  	s2 =	simm.s32 $0x8680;
	v3 =	vadd.s32 v1, v3  }
0x19c: {  	[tilespmem:s2], [sflag:$0x1] =	stream.indirect_vreg.gather [hbm4b:s0+s6], $0x80, v4, vm0, $0xb8;
	[tilespmem:$0x18780] =	vst v63  }
0x19d: {  	s5 =	simm.s32 $0x8E80  }
0x19e: {  	[tilespmem:s5], [sflag:$0x1] =	stream.indirect_vreg.gather [hbm4b:s9+s6], $0x80, v4, vm0, $0xb8;
	[tilespmem:$0x18780] =	vst v63  }
0x19f: {  	s7 =	simm.s32 $0x9680  }
0x1a0: {  	[tilespmem:s7], [sflag:$0x1] =	stream.indirect_vreg.gather [hbm4b:s0+s6], $0x80, v3, vm0, $0xb8;
	[tilespmem:$0x18780] =	vst v63  }
0x1a1: {  	s8 =	simm.s32 $0x9E80  }
0x1a2: {  	[tilespmem:s8], [sflag:$0x1] =	stream.indirect_vreg.gather [hbm4b:s9+s6], $0x80, v3, vm0, $0xb8;
	[tilespmem:$0x18780] =	vst v63  }
0x1a3: {  	v3 =	vld [tilespmem:s31+$0x110];
	_ =	sdelay $0x4  }
0x1a4: {  	v61 =	vshll.u32 v3, $0x2  }
0x1a5: {  	v3 =	vand.u32 $0x7, v3;
	v4 =	vand.u32 $0xFFFFFFE0, v61  }
0x1a6: {  	v3 =	vor.u32 v3, v4  }
0x1a7: {  	v4 =	vperm.xlane v3, v0;
	_ =	sdelay $0x1  }
0x1a8: {  	v4 =	vadd.s32 v1, v4;
	_ =	sdelay $0x1  }
0x1a9: {  	v3 =	vperm.xlane v3, v2;
	_ =	sdelay $0x1  }
0x1aa: {  	s10 =	simm.s32 $0xA680;
	v3 =	vadd.s32 v1, v3  }
0x1ab: {  	[tilespmem:s10], [sflag:$0x1] =	stream.indirect_vreg.gather [hbm4b:s0+s6], $0x80, v4, vm0, $0xb8;
	[tilespmem:$0x18780] =	vst v63  }
0x1ac: {  	s13 =	simm.s32 $0xAE80  }
0x1ad: {  	[tilespmem:s13], [sflag:$0x1] =	stream.indirect_vreg.gather [hbm4b:s9+s6], $0x80, v4, vm0, $0xb8;
	[tilespmem:$0x18780] =	vst v63  }
0x1ae: {  	s14 =	simm.s32 $0xB680  }
0x1af: {  	[tilespmem:s14], [sflag:$0x1] =	stream.indirect_vreg.gather [hbm4b:s0+s6], $0x80, v3, vm0, $0xb8;
	[tilespmem:$0x18780] =	vst v63  }
0x1b0: {  	s15 =	simm.s32 $0xBE80  }
0x1b1: {  	[tilespmem:s15], [sflag:$0x1] =	stream.indirect_vreg.gather [hbm4b:s9+s6], $0x80, v3, vm0, $0xb8;
	[tilespmem:$0x18780] =	vst v63  }
0x1b2: {  	v3 =	vld [tilespmem:s31+$0x120];
	_ =	sdelay $0x4  }
0x1b3: {  	v62 =	vshll.u32 v3, $0x2  }
0x1b4: {  	v3 =	vand.u32 $0x7, v3;
	v4 =	vand.u32 $0xFFFFFFE0, v62  }
0x1b5: {  	v3 =	vor.u32 v3, v4  }
0x1b6: {  	v4 =	vperm.xlane v3, v0;
	_ =	sdelay $0x1  }
0x1b7: {  	v4 =	vadd.s32 v1, v4;
	_ =	sdelay $0x1  }
0x1b8: {  	v3 =	vperm.xlane v3, v2;
	_ =	sdelay $0x1  }
0x1b9: {  	s4 =	simm.s32 $0xC680;
	v3 =	vadd.s32 v1, v3  }
0x1ba: {  	[tilespmem:s4], [sflag:$0x1] =	stream.indirect_vreg.gather [hbm4b:s0+s6], $0x80, v4, vm0, $0xb8;
	[tilespmem:$0x18780] =	vst v63  }
0x1bb: {  	s5 =	simm.s32 $0xCE80  }
0x1bc: {  	[tilespmem:s5], [sflag:$0x1] =	stream.indirect_vreg.gather [hbm4b:s9+s6], $0x80, v4, vm0, $0xb8;
	[tilespmem:$0x18780] =	vst v63  }
0x1bd: {  	s7 =	simm.s32 $0xD680  }
0x1be: {  	[tilespmem:s7], [sflag:$0x1] =	stream.indirect_vreg.gather [hbm4b:s0+s6], $0x80, v3, vm0, $0xb8;
	[tilespmem:$0x18780] =	vst v63  }
0x1bf: {  	s8 =	simm.s32 $0xDE80  }
0x1c0: {  	[tilespmem:s8], [sflag:$0x1] =	stream.indirect_vreg.gather [hbm4b:s9+s6], $0x80, v3, vm0, $0xb8;
	[tilespmem:$0x18780] =	vst v63  }
0x1c1: {  	v3 =	vld [tilespmem:s31+$0x130];
	_ =	sdelay $0x4  }
0x1c2: {  	v63 =	vshll.u32 v3, $0x2  }
0x1c3: {  	v3 =	vand.u32 $0x7, v3;
	v4 =	vand.u32 $0xFFFFFFE0, v63  }
0x1c4: {  	v3 =	vor.u32 v3, v4  }
0x1c5: {  	v4 =	vperm.xlane v3, v0;
	_ =	sdelay $0x1  }
0x1c6: {  	v4 =	vadd.s32 v1, v4;
	_ =	sdelay $0x1  }
0x1c7: {  	v3 =	vperm.xlane v3, v2;
	_ =	sdelay $0x1  }
0x1c8: {  	s10 =	simm.s32 $0xE680;
	v3 =	vadd.s32 v1, v3  }
0x1c9: {  	[tilespmem:s10], [sflag:$0x1] =	stream.indirect_vreg.gather [hbm4b:s0+s6], $0x80, v4, vm0, $0xb8;
	[tilespmem:$0x18780] =	vst v63  }
0x1ca: {  	s13 =	simm.s32 $0xEE80  }
0x1cb: {  	[tilespmem:s13], [sflag:$0x1] =	stream.indirect_vreg.gather [hbm4b:s9+s6], $0x80, v4, vm0, $0xb8;
	[tilespmem:$0x18780] =	vst v63  }
0x1cc: {  	s14 =	simm.s32 $0xF680  }
0x1cd: {  	[tilespmem:s14], [sflag:$0x1] =	stream.indirect_vreg.gather [hbm4b:s0+s6], $0x80, v3, vm0, $0xb8;
	[tilespmem:$0x18780] =	vst v63  }
0x1ce: {  	s15 =	simm.s32 $0xFE80  }
0x1cf: {  	[tilespmem:s15], [sflag:$0x1] =	stream.indirect_vreg.gather [hbm4b:s9+s6], $0x80, v3, vm0, $0xb8;
	[tilespmem:$0x18780] =	vst v63  }
0x1d0: {  	s4 =	simm.s32 $0x10680;
	s31 =	sadd.s32 $0x100, s31  }
0x1d1: {  	[tilespmem:s4], [sflag:$0x1] =	stream.indirect.gather [hbm4b:s3+s1], $0x1, s31, s1, $0xb8;
	[tilespmem:$0x18780] =	vst v63  }
.LBB2_6:
0x1d2: {  	_ =	swait.ge [sflag:s26], $0x8000  }
0x1d3: {  	[sflag:s26] =	ssyncset.done $0x0  }
0x1d4: {  	[sflag:s26] =	ssyncadd.s32 $0xFFFF8000  }
0x1d5: {  	_ =	swait.ge [sflag:s26], $0x40  }
0x1d6: {  	s8 =	simm.s32 $0x0;
	[sflag:s26] =	ssyncset.done $0x0  }
0x1d7: {  	s2 =	sand.u32 $0x70, s8;
	s4 =	sand.u32 $0xC00, s8;
	[sflag:s26] =	ssyncadd.s32 $0xFFFFFFC0  }
0x1d8: {  	s2 =	sor.u32 s2, s4;
	v3 =	vld [tilespmem:s30+$0x4000]  }
0x1d9: {  	v4 =	vld [tilespmem:s2+$0x10700]  }
0x1da: {  	v5 =	vld [tilespmem:s2+$0x14700]  }
0x1db: {  	s4 =	sadd.s32 $0x10700, s2;
	v6 =	vld [tilespmem:s2+$0x14780]  }
0x1dc: {  	v7 =	vld [tilespmem:s4+$0x80]  }
0x1dd: {  	v8 =	vld [tilespmem:s2+$0x14800]  }
0x1de: {  	v9 =	vld [tilespmem:s4+$0x100]  }
0x1df: {  	v10 =	vld [tilespmem:s2+$0x14880]  }
0x1e0: {  	v11 =	vld [tilespmem:s4+$0x180]  }
0x1e1: {  	v12 =	vld [tilespmem:s2+$0x14900];
	v4 =	vadd.f32 v7, v4;
	v5 =	vadd.f32 v6, v5  }
0x1e2: {  	v6 =	vld [tilespmem:s4+$0x200]  }
0x1e3: {  	v7 =	vld [tilespmem:s2+$0x14980];
	v4 =	vadd.f32 v9, v4;
	v5 =	vadd.f32 v8, v5  }
0x1e4: {  	v8 =	vld [tilespmem:s4+$0x280]  }
0x1e5: {  	v9 =	vld [tilespmem:s2+$0x14A00];
	v4 =	vadd.f32 v11, v4;
	v5 =	vadd.f32 v10, v5  }
0x1e6: {  	v10 =	vld [tilespmem:s4+$0x300]  }
0x1e7: {  	v11 =	vld [tilespmem:s2+$0x14A80];
	v4 =	vadd.f32 v6, v4;
	v5 =	vadd.f32 v12, v5  }
0x1e8: {  	v6 =	vld [tilespmem:s4+$0x380]  }
0x1e9: {  	v12 =	vld [tilespmem:s2+$0x11700];
	v4 =	vadd.f32 v8, v4;
	v5 =	vadd.f32 v7, v5  }
0x1ea: {  	v7 =	vld [tilespmem:s2+$0x15700]  }
0x1eb: {  	v8 =	vld [tilespmem:s2+$0x11780];
	v4 =	vadd.f32 v10, v4;
	v5 =	vadd.f32 v9, v5  }
0x1ec: {  	v9 =	vld [tilespmem:s2+$0x15780]  }
0x1ed: {  	v10 =	vld [tilespmem:s2+$0x11800];
	v4 =	vadd.f32 v6, v4;
	v5 =	vadd.f32 v11, v5  }
0x1ee: {  	v6 =	vld [tilespmem:s2+$0x15800]  }
0x1ef: {  	v11 =	vld [tilespmem:s2+$0x11880];
	v4 =	vadd.f32 v12, v4;
	v5 =	vadd.f32 v7, v5  }
0x1f0: {  	v7 =	vld [tilespmem:s2+$0x15880]  }
0x1f1: {  	v12 =	vld [tilespmem:s2+$0x11900];
	v4 =	vadd.f32 v8, v4;
	v5 =	vadd.f32 v9, v5  }
0x1f2: {  	v8 =	vld [tilespmem:s2+$0x15900]  }
0x1f3: {  	v9 =	vld [tilespmem:s2+$0x11980];
	v4 =	vadd.f32 v10, v4;
	v5 =	vadd.f32 v6, v5  }
0x1f4: {  	v6 =	vld [tilespmem:s2+$0x15980]  }
0x1f5: {  	v10 =	vld [tilespmem:s2+$0x11A00];
	v4 =	vadd.f32 v11, v4;
	v5 =	vadd.f32 v7, v5  }
0x1f6: {  	v7 =	vld [tilespmem:s2+$0x15A00]  }
0x1f7: {  	v11 =	vld [tilespmem:s2+$0x11A80];
	v4 =	vadd.f32 v12, v4;
	v5 =	vadd.f32 v8, v5  }
0x1f8: {  	v8 =	vld [tilespmem:s2+$0x15A80]  }
0x1f9: {  	v12 =	vld [tilespmem:s2+$0x12700];
	v4 =	vadd.f32 v9, v4;
	v5 =	vadd.f32 v6, v5  }
0x1fa: {  	v6 =	vld [tilespmem:s2+$0x16700]  }
0x1fb: {  	v9 =	vld [tilespmem:s2+$0x12780];
	v4 =	vadd.f32 v10, v4;
	v5 =	vadd.f32 v7, v5  }
0x1fc: {  	v7 =	vld [tilespmem:s2+$0x16780]  }
0x1fd: {  	v10 =	vld [tilespmem:s2+$0x12800];
	v4 =	vadd.f32 v11, v4;
	v5 =	vadd.f32 v8, v5  }
0x1fe: {  	v8 =	vld [tilespmem:s2+$0x16800]  }
0x1ff: {  	v11 =	vld [tilespmem:s2+$0x12880];
	v4 =	vadd.f32 v12, v4;
	v5 =	vadd.f32 v6, v5  }
0x200: {  	v6 =	vld [tilespmem:s2+$0x16880]  }
0x201: {  	v12 =	vld [tilespmem:s2+$0x12900];
	v4 =	vadd.f32 v9, v4;
	v5 =	vadd.f32 v7, v5  }
0x202: {  	v7 =	vld [tilespmem:s2+$0x16900]  }
0x203: {  	v9 =	vld [tilespmem:s2+$0x12980];
	v4 =	vadd.f32 v10, v4;
	v5 =	vadd.f32 v8, v5  }
0x204: {  	v8 =	vld [tilespmem:s2+$0x16980]  }
0x205: {  	v10 =	vld [tilespmem:s2+$0x12A00];
	v4 =	vadd.f32 v11, v4;
	v5 =	vadd.f32 v6, v5  }
0x206: {  	v6 =	vld [tilespmem:s2+$0x16A00]  }
0x207: {  	v11 =	vld [tilespmem:s2+$0x12A80];
	v4 =	vadd.f32 v12, v4;
	v5 =	vadd.f32 v7, v5  }
0x208: {  	v7 =	vld [tilespmem:s2+$0x16A80]  }
0x209: {  	v12 =	vld [tilespmem:s2+$0x13700];
	v4 =	vadd.f32 v9, v4;
	v5 =	vadd.f32 v8, v5  }
0x20a: {  	(v2sf) =	vpush v3, $0x0;
	v8 =	vld [tilespmem:s2+$0x17700]  }
0x20b: {  	v9 =	vld [tilespmem:s2+$0x13780];
	v4 =	vadd.f32 v10, v4;
	v5 =	vadd.f32 v6, v5  }
0x20c: {  	v6 =	vld [tilespmem:s2+$0x17780]  }
0x20d: {  	v10 =	vld [tilespmem:s2+$0x13800];
	v4 =	vadd.f32 v11, v4;
	v5 =	vadd.f32 v7, v5  }
0x20e: {  	v7 =	vld [tilespmem:s2+$0x17800]  }
0x20f: {  	v11 =	vld [tilespmem:s2+$0x13880];
	v4 =	vadd.f32 v12, v4;
	v5 =	vadd.f32 v8, v5  }
0x210: {  	v8 =	vld [tilespmem:s2+$0x17880]  }
0x211: {  	v12 =	vld [tilespmem:s2+$0x13900];
	v4 =	vadd.f32 v9, v4;
	v5 =	vadd.f32 v6, v5  }
0x212: {  	v6 =	vld [tilespmem:s2+$0x17900]  }
0x213: {  	v13 =	vld [tilespmem:s2+$0x13980];
	v4 =	vadd.f32 v10, v4;
	v5 =	vadd.f32 v7, v5  }
0x214: {  	v14 =	vld [tilespmem:s2+$0x17980]  }
0x215: {  	v15 =	vld [tilespmem:s2+$0x13A00];
	v4 =	vadd.f32 v11, v4;
	v5 =	vadd.f32 v8, v5  }
0x216: {  	v16 =	vld [tilespmem:s2+$0x17A00]  }
0x217: {  	v9 =	vld [tilespmem:s2+$0x13A80];
	v4 =	vadd.f32 v12, v4;
	v5 =	vadd.f32 v6, v5  }
0x218: {  	s5 =	simm.s32 $0x8200;
	s13 =	simm.s32 $0x8000;
	s7 =	simm.s32 $0x80;
	v10 =	vld [tilespmem:s2+$0x17A80]  }
0x219: {  	s15 =	sand.u32 $0xC00, s7;
	s4 =	spop (v2sf);
	s2 =	simm.s32 $0x10;
	v7 =	vld [tilespmem:s5+$0x0];
	v4 =	vadd.f32 v13, v4;
	v13 =	vadd.f32 v14, v5  }
0x21a: {  	s8 =	sand.u32 $0x1F0, s8;
	s10 =	ssub.f32 $1.000000000e+00, s4;
	s14 =	sand.u32 $0x70, s2;
	v11 =	vld [tilespmem:s13+$0x0]  }
0x21b: {  	s14 =	sor.u32 s14, s15;
	v8 =	vld [tilespmem:s8+$0x8400];
	v6 =	vbroadcast v3, $0x0;
	v12 =	vadd.f32 v15, v4;
	v13 =	vadd.f32 v16, v13  }
0x21c: {  	s8 =	simm.s32 $0x20;
	v3 =	vimm.f32 $0.0e+00;
	v5 =	vmov s10;
	v14 =	vld [tilespmem:s14+$0x10700];
	v4 =	vimm.f32 $0.0e+00  }
.LBB2_7:
0x21d: {  	p0 =	sne.s32 s8, $0x1F0;
	v15 =	vld [tilespmem:s14+$0x14700];
	v9 =	vadd.f32 v9, v12;
	v10 =	vadd.f32 v10, v13  }
0x21e: {  	s10 =	sadd.s32 $0x10700, s14;
	v12 =	vld [tilespmem:s14+$0x14780]  }
0x21f: {  	v13 =	vld [tilespmem:s10+$0x80];
	v9 =	vadd.f32 v11, v9;
	v10 =	vadd.f32 v11, v10  }
0x220: {  	v11 =	vld [tilespmem:s14+$0x14800]  }
0x221: {  	v16 =	vld [tilespmem:s10+$0x100];
	v17 =	vmul.f32 v9, v6;
	v18 =	vmul.f32 v10, v5  }
0x222: {  	v9 =	vmul.f32 v9, v5;
	v10 =	vmul.f32 v10, v6;
	v19 =	vld [tilespmem:s14+$0x14880]  }
0x223: {  	v20 =	vld [tilespmem:s10+$0x180];
	v17 =	vadd.f32 v18, v17  }
0x224: {  	v12 =	vadd.f32 v12, v15;
	v13 =	vadd.f32 v13, v14;
	v14 =	vld [tilespmem:s14+$0x14900]  }
0x225: {  	v9 =	vadd.f32 v10, v9;
	v15 =	vld [tilespmem:s10+$0x200];
	v10 =	vmax.f32 v17, $0.0e+00  }
0x226: {  	v11 =	vadd.f32 v11, v12;
	v13 =	vadd.f32 v16, v13;
	v12 =	vld [tilespmem:s14+$0x14980];
	v10 =	vmin.f32 v10, $1.000000000e+00  }
0x227: {  	v9 =	vmax.f32 v9, $0.0e+00;
	v16 =	vld [tilespmem:s10+$0x280];
	v10 =	vmul.f32 v10, v10  }
0x228: {  	v9 =	vmin.f32 v9, $1.000000000e+00;
	v11 =	vadd.f32 v19, v11;
	v13 =	vadd.f32 v20, v13;
	v17 =	vld [tilespmem:s14+$0x14A00]  }
0x229: {  	v9 =	vmul.f32 v9, v9;
	v18 =	vld [tilespmem:s10+$0x300];
	v8 =	vmul.f32 v10, v8  }
0x22a: {  	v11 =	vadd.f32 v14, v11;
	v10 =	vadd.f32 v15, v13;
	v13 =	vld [tilespmem:s14+$0x14A80]  }
0x22b: {  	v7 =	vmul.f32 v9, v7;
	v14 =	vld [tilespmem:s10+$0x380];
	v3 =	vadd.f32 v8, v3  }
0x22c: {  	v9 =	vadd.f32 v12, v11;
	v8 =	vadd.f32 v16, v10;
	v10 =	vld [tilespmem:s14+$0x11700]  }
0x22d: {  	v4 =	vadd.f32 v7, v4;
	v11 =	vld [tilespmem:s14+$0x15700]  }
0x22e: {  	v7 =	vadd.f32 v18, v8;
	v8 =	vadd.f32 v17, v9;
	v9 =	vld [tilespmem:s14+$0x11780]  }
0x22f: {  	v12 =	vld [tilespmem:s14+$0x15780]  }
0x230: {  	v7 =	vadd.f32 v14, v7;
	v8 =	vadd.f32 v13, v8;
	v13 =	vld [tilespmem:s14+$0x11800]  }
0x231: {  	v14 =	vld [tilespmem:s14+$0x15800]  }
0x232: {  	v7 =	vadd.f32 v10, v7;
	v8 =	vadd.f32 v11, v8;
	v10 =	vld [tilespmem:s14+$0x11880]  }
0x233: {  	v11 =	vld [tilespmem:s14+$0x15880]  }
0x234: {  	v7 =	vadd.f32 v9, v7;
	v8 =	vadd.f32 v12, v8;
	v9 =	vld [tilespmem:s14+$0x11900]  }
0x235: {  	v12 =	vld [tilespmem:s14+$0x15900]  }
0x236: {  	v7 =	vadd.f32 v13, v7;
	v8 =	vadd.f32 v14, v8;
	v13 =	vld [tilespmem:s14+$0x11980]  }
0x237: {  	v14 =	vld [tilespmem:s14+$0x15980]  }
0x238: {  	v7 =	vadd.f32 v10, v7;
	v8 =	vadd.f32 v11, v8;
	v10 =	vld [tilespmem:s14+$0x11A00]  }
0x239: {  	v11 =	vld [tilespmem:s14+$0x15A00]  }
0x23a: {  	v7 =	vadd.f32 v9, v7;
	v8 =	vadd.f32 v12, v8;
	v9 =	vld [tilespmem:s14+$0x11A80]  }
0x23b: {  	v12 =	vld [tilespmem:s14+$0x15A80]  }
0x23c: {  	v7 =	vadd.f32 v13, v7;
	v8 =	vadd.f32 v14, v8;
	v13 =	vld [tilespmem:s14+$0x12700]  }
0x23d: {  	v14 =	vld [tilespmem:s14+$0x16700]  }
0x23e: {  	v7 =	vadd.f32 v10, v7;
	v8 =	vadd.f32 v11, v8;
	v10 =	vld [tilespmem:s14+$0x12780]  }
0x23f: {  	v11 =	vld [tilespmem:s14+$0x16780]  }
0x240: {  	v7 =	vadd.f32 v9, v7;
	v8 =	vadd.f32 v12, v8;
	v9 =	vld [tilespmem:s14+$0x12800]  }
0x241: {  	v12 =	vld [tilespmem:s14+$0x16800]  }
0x242: {  	v7 =	vadd.f32 v13, v7;
	v8 =	vadd.f32 v14, v8;
	v13 =	vld [tilespmem:s14+$0x12880]  }
0x243: {  	v14 =	vld [tilespmem:s14+$0x16880]  }
0x244: {  	v7 =	vadd.f32 v10, v7;
	v8 =	vadd.f32 v11, v8;
	v10 =	vld [tilespmem:s14+$0x12900]  }
0x245: {  	v11 =	vld [tilespmem:s14+$0x16900]  }
0x246: {  	v7 =	vadd.f32 v9, v7;
	v8 =	vadd.f32 v12, v8;
	v9 =	vld [tilespmem:s14+$0x12980]  }
0x247: {  	v12 =	vld [tilespmem:s14+$0x16980]  }
0x248: {  	v7 =	vadd.f32 v13, v7;
	v8 =	vadd.f32 v14, v8;
	v13 =	vld [tilespmem:s14+$0x12A00]  }
0x249: {  	v14 =	vld [tilespmem:s14+$0x16A00]  }
0x24a: {  	v7 =	vadd.f32 v10, v7;
	v8 =	vadd.f32 v11, v8;
	v10 =	vld [tilespmem:s14+$0x12A80]  }
0x24b: {  	v11 =	vld [tilespmem:s14+$0x16A80]  }
0x24c: {  	v7 =	vadd.f32 v9, v7;
	v8 =	vadd.f32 v12, v8;
	v9 =	vld [tilespmem:s14+$0x13700]  }
0x24d: {  	v12 =	vld [tilespmem:s14+$0x17700]  }
0x24e: {  	v7 =	vadd.f32 v13, v7;
	v8 =	vadd.f32 v14, v8;
	v13 =	vld [tilespmem:s14+$0x13780]  }
0x24f: {  	v14 =	vld [tilespmem:s14+$0x17780]  }
0x250: {  	v7 =	vadd.f32 v10, v7;
	v8 =	vadd.f32 v11, v8;
	v10 =	vld [tilespmem:s14+$0x13800]  }
0x251: {  	v11 =	vld [tilespmem:s14+$0x17800]  }
0x252: {  	v7 =	vadd.f32 v9, v7;
	v8 =	vadd.f32 v12, v8;
	v9 =	vld [tilespmem:s14+$0x13880]  }
0x253: {  	v12 =	vld [tilespmem:s14+$0x17880]  }
0x254: {  	v7 =	vadd.f32 v13, v7;
	v8 =	vadd.f32 v14, v8;
	v13 =	vld [tilespmem:s14+$0x13900]  }
0x255: {  	v14 =	vld [tilespmem:s14+$0x17900]  }
0x256: {  	v7 =	vadd.f32 v10, v7;
	v8 =	vadd.f32 v11, v8;
	v11 =	vld [tilespmem:s14+$0x13980]  }
0x257: {  	v15 =	vld [tilespmem:s14+$0x17980]  }
0x258: {  	v7 =	vadd.f32 v9, v7;
	v8 =	vadd.f32 v12, v8;
	v12 =	vld [tilespmem:s14+$0x13A00]  }
0x259: {  	v16 =	vld [tilespmem:s14+$0x17A00]  }
0x25a: {  	v7 =	vadd.f32 v13, v7;
	v8 =	vadd.f32 v14, v8;
	v9 =	vld [tilespmem:s14+$0x13A80]  }
.Ltmp2:
0x25b: {  	s5 =	sadd.s32 $0x10, s5;
	v10 =	vld [tilespmem:s14+$0x17A80];
	(pc) =	sbr.rel @p0 .LBB2_7-.Ltmp2, $4  }
0x25c: {  	s7 =	sadd.s32 $0x80, s7;
	s13 =	sadd.s32 $0x10, s13;
	v13 =	vadd.f32 v11, v7;
	v8 =	vadd.f32 v15, v8;
	v7 =	vld [tilespmem:s5+$0x0]  }
0x25d: {  	s2 =	sand.u32 $0x1F0, s2;
	s10 =	sand.u32 $0x70, s8;
	s14 =	sand.u32 $0xC00, s7;
	v11 =	vld [tilespmem:s13+$0x0]  }
0x25e: {  	s14 =	sor.u32 s10, s14;
	v12 =	vadd.f32 v12, v13;
	v13 =	vadd.f32 v16, v8;
	v8 =	vld [tilespmem:s2+$0x8400];
	s2 =	smov.u32 s8  }
0x25f: {  	s8 =	sadd.s32 $0x10, s8;
	v14 =	vld [tilespmem:s14+$0x10700]  }
0x260: {  	v15 =	vld [tilespmem:s14+$0x14700]  }
0x261: {  	s7 =	sadd.s32 $0x10700, s14;
	v16 =	vld [tilespmem:s14+$0x14780]  }
0x262: {  	v17 =	vld [tilespmem:s7+$0x80]  }
0x263: {  	v18 =	vld [tilespmem:s14+$0x14800]  }
0x264: {  	v19 =	vld [tilespmem:s7+$0x100]  }
0x265: {  	v20 =	vld [tilespmem:s14+$0x14880]  }
0x266: {  	v21 =	vld [tilespmem:s7+$0x180]  }
0x267: {  	v63 =	vld [tilespmem:s14+$0x14900];
	v15 =	vadd.f32 v16, v15;
	v14 =	vadd.f32 v17, v14  }
0x268: {  	v24 =	vld [tilespmem:s7+$0x200]  }
0x269: {  	v25 =	vld [tilespmem:s14+$0x14980];
	v15 =	vadd.f32 v18, v15;
	v14 =	vadd.f32 v19, v14  }
0x26a: {  	v26 =	vld [tilespmem:s7+$0x280]  }
0x26b: {  	v27 =	vld [tilespmem:s14+$0x14A00];
	v15 =	vadd.f32 v20, v15;
	v14 =	vadd.f32 v21, v14  }
0x26c: {  	v28 =	vld [tilespmem:s7+$0x300]  }
0x26d: {  	v29 =	vld [tilespmem:s14+$0x14A80];
	v15 =	vadd.f32 v63, v15;
	v14 =	vadd.f32 v24, v14  }
0x26e: {  	v30 =	vld [tilespmem:s7+$0x380]  }
0x26f: {  	v31 =	vld [tilespmem:s14+$0x11700];
	v15 =	vadd.f32 v25, v15;
	v14 =	vadd.f32 v26, v14  }
0x270: {  	v32 =	vld [tilespmem:s14+$0x15700]  }
0x271: {  	v33 =	vld [tilespmem:s14+$0x11780];
	v15 =	vadd.f32 v27, v15;
	v14 =	vadd.f32 v28, v14  }
0x272: {  	v34 =	vld [tilespmem:s14+$0x15780]  }
0x273: {  	v35 =	vld [tilespmem:s14+$0x11800];
	v15 =	vadd.f32 v29, v15;
	v14 =	vadd.f32 v30, v14  }
0x274: {  	v36 =	vld [tilespmem:s14+$0x15800]  }
0x275: {  	v37 =	vld [tilespmem:s14+$0x11880];
	v15 =	vadd.f32 v32, v15;
	v14 =	vadd.f32 v31, v14  }
0x276: {  	v38 =	vld [tilespmem:s14+$0x15880]  }
0x277: {  	v39 =	vld [tilespmem:s14+$0x11900];
	v15 =	vadd.f32 v34, v15;
	v14 =	vadd.f32 v33, v14  }
0x278: {  	v40 =	vld [tilespmem:s14+$0x15900]  }
0x279: {  	v41 =	vld [tilespmem:s14+$0x11980];
	v15 =	vadd.f32 v36, v15;
	v14 =	vadd.f32 v35, v14  }
0x27a: {  	v42 =	vld [tilespmem:s14+$0x15980]  }
0x27b: {  	v43 =	vld [tilespmem:s14+$0x11A00];
	v15 =	vadd.f32 v38, v15;
	v14 =	vadd.f32 v37, v14  }
0x27c: {  	v44 =	vld [tilespmem:s14+$0x15A00]  }
0x27d: {  	v45 =	vld [tilespmem:s14+$0x11A80];
	v15 =	vadd.f32 v40, v15;
	v14 =	vadd.f32 v39, v14  }
0x27e: {  	v46 =	vld [tilespmem:s14+$0x15A80]  }
0x27f: {  	v47 =	vld [tilespmem:s14+$0x12700];
	v15 =	vadd.f32 v42, v15;
	v14 =	vadd.f32 v41, v14  }
0x280: {  	v48 =	vld [tilespmem:s14+$0x16700]  }
0x281: {  	v49 =	vld [tilespmem:s14+$0x12780];
	v15 =	vadd.f32 v44, v15;
	v14 =	vadd.f32 v43, v14  }
0x282: {  	v50 =	vld [tilespmem:s14+$0x16780]  }
0x283: {  	v51 =	vld [tilespmem:s14+$0x12800];
	v15 =	vadd.f32 v46, v15;
	v14 =	vadd.f32 v45, v14  }
0x284: {  	v52 =	vld [tilespmem:s14+$0x16800]  }
0x285: {  	v53 =	vld [tilespmem:s14+$0x12880];
	v15 =	vadd.f32 v48, v15;
	v14 =	vadd.f32 v47, v14  }
0x286: {  	v54 =	vld [tilespmem:s14+$0x16880]  }
0x287: {  	v55 =	vld [tilespmem:s14+$0x12900];
	v15 =	vadd.f32 v50, v15;
	v14 =	vadd.f32 v49, v14  }
0x288: {  	v56 =	vld [tilespmem:s14+$0x16900]  }
0x289: {  	v57 =	vld [tilespmem:s14+$0x12980];
	v15 =	vadd.f32 v52, v15;
	v14 =	vadd.f32 v51, v14  }
0x28a: {  	v58 =	vld [tilespmem:s14+$0x16980]  }
0x28b: {  	v59 =	vld [tilespmem:s14+$0x12A00];
	v15 =	vadd.f32 v54, v15;
	v14 =	vadd.f32 v53, v14  }
0x28c: {  	v60 =	vld [tilespmem:s14+$0x16A00]  }
0x28d: {  	v61 =	vld [tilespmem:s14+$0x12A80];
	v15 =	vadd.f32 v56, v15;
	v14 =	vadd.f32 v55, v14  }
0x28e: {  	v62 =	vld [tilespmem:s14+$0x16A80]  }
0x28f: {  	v63 =	vld [tilespmem:s14+$0x13700];
	v15 =	vadd.f32 v58, v15;
	v14 =	vadd.f32 v57, v14  }
0x290: {  	v24 =	vld [tilespmem:s14+$0x17700]  }
0x291: {  	v25 =	vld [tilespmem:s14+$0x13780];
	v15 =	vadd.f32 v60, v15;
	v14 =	vadd.f32 v59, v14  }
0x292: {  	v26 =	vld [tilespmem:s14+$0x17780]  }
0x293: {  	v27 =	vld [tilespmem:s14+$0x13800];
	v15 =	vadd.f32 v62, v15;
	v14 =	vadd.f32 v61, v14  }
0x294: {  	v28 =	vld [tilespmem:s14+$0x17800]  }
0x295: {  	v29 =	vld [tilespmem:s14+$0x13880];
	v15 =	vadd.f32 v24, v15;
	v14 =	vadd.f32 v63, v14  }
0x296: {  	v30 =	vld [tilespmem:s14+$0x17880]  }
0x297: {  	v32 =	vld [tilespmem:s14+$0x17900];
	v15 =	vadd.f32 v26, v15;
	v14 =	vadd.f32 v25, v14  }
0x298: {  	v31 =	vld [tilespmem:s14+$0x13900]  }
0x299: {  	v34 =	vld [tilespmem:s14+$0x17980];
	v15 =	vadd.f32 v28, v15;
	v14 =	vadd.f32 v27, v14  }
0x29a: {  	v33 =	vld [tilespmem:s14+$0x13980]  }
0x29b: {  	v36 =	vld [tilespmem:s14+$0x17A00];
	v15 =	vadd.f32 v30, v15;
	v14 =	vadd.f32 v29, v14  }
0x29c: {  	v35 =	vld [tilespmem:s14+$0x13A00]  }
0x29d: {  	v38 =	vld [tilespmem:s14+$0x17A80];
	v15 =	vadd.f32 v32, v15;
	v14 =	vadd.f32 v31, v14  }
0x29e: {  	v37 =	vld [tilespmem:s14+$0x13A80]  }
0x29f: {  	s14 =	sadd.s32 $0x10, s13;
	v15 =	vadd.f32 v34, v15;
	v14 =	vadd.f32 v33, v14  }
0x2a0: {  	v9 =	vadd.f32 v9, v12;
	v10 =	vadd.f32 v10, v13;
	v39 =	vld [tilespmem:s14+$0x0]  }
0x2a1: {  	v41 =	vadd.f32 v36, v15;
	v40 =	vadd.f32 v35, v14  }
0x2a2: {  	v9 =	vadd.f32 v11, v9;
	v10 =	vadd.f32 v11, v10  }
0x2a3: {  	v43 =	vadd.f32 v38, v41;
	v42 =	vadd.f32 v37, v40  }
0x2a4: {  	v44 =	vmul.f32 v9, v5  }
0x2a5: {  	v45 =	vmul.f32 v10, v6;
	v12 =	vadd.f32 v39, v43;
	v11 =	vadd.f32 v39, v42  }
0x2a6: {  	v9 =	vmul.f32 v9, v6;
	v10 =	vmul.f32 v10, v5  }
0x2a7: {  	s5 =	sadd.s32 $0x10, s5;
	v46 =	vadd.f32 v45, v44;
	v48 =	vmul.f32 v12, v6;
	v47 =	vmul.f32 v11, v5  }
0x2a8: {  	v9 =	vadd.f32 v10, v9;
	v49 =	vld [tilespmem:s5+$0x0];
	v51 =	vmul.f32 v12, v5;
	v50 =	vmul.f32 v11, v6  }
0x2a9: {  	v52 =	vmax.f32 v46, $0.0e+00;
	v54 =	vld [tilespmem:$0x18700];
	v53 =	vadd.f32 v48, v47  }
0x2aa: {  	s2 =	sand.u32 $0x1F0, s2;
	v9 =	vmax.f32 v9, $0.0e+00;
	v55 =	vld [tilespmem:$0x18710];
	v11 =	vmin.f32 v52, $1.000000000e+00;
	v5 =	vadd.f32 v51, v50  }
0x2ab: {  	v9 =	vmin.f32 v9, $1.000000000e+00;
	v56 =	vld [tilespmem:s2+$0x8400];
	v11 =	vmul.f32 v11, v11;
	v12 =	vmax.f32 v53, $0.0e+00  }
0x2ac: {  	v9 =	vmul.f32 v9, v9;
	v57 =	vld [tilespmem:$0x18720];
	v5 =	vmax.f32 v5, $0.0e+00;
	v12 =	vmin.f32 v12, $1.000000000e+00  }
0x2ad: {  	v7 =	vmul.f32 v11, v7;
	v5 =	vmin.f32 v5, $1.000000000e+00;
	v58 =	vmul.f32 v12, v12  }
0x2ae: {  	v8 =	vmul.f32 v9, v8;
	v59 =	vld [tilespmem:$0x18730];
	v5 =	vmul.f32 v5, v5  }
0x2af: {  	v6 =	vadd.f32 v55, v54;
	v4 =	vadd.f32 v7, v4;
	v60 =	vmul.f32 v58, v49  }
0x2b0: {  	v3 =	vadd.f32 v8, v3;
	v5 =	vmul.f32 v5, v56  }
0x2b1: {  	v6 =	vsub.f32 v6, v57;
	v4 =	vadd.f32 v60, v4  }
0x2b2: {  	v3 =	vadd.f32 v5, v3  }
0x2b3: {  	v61 =	vsub.f32 v6, v59;
	(xrf2) =	vadd.scan.msk.f32 $0xffff, v4  }
0x2b4: {  	(xrf2) =	vadd.scan.msk.f32 $0xffff, v3  }
0x2b5: {  	(xrf2) =	vadd.scan.msk.f32 $0xffff, v61;
	_ =	sdelay $0x7  }
0x2b6: {  	v3, _, _ =	vpop (xrf2)  }
0x2b7: {  	v62, _, _ =	vpop (xrf2);
	(v2sf) =	vpush v3, $0xF  }
0x2b8: {  	(v2sf) =	vpush v62, $0xF;
	v3, _, _ =	vpop (xrf2)  }
0x2b9: {  	(v2sf) =	vpush v3, $0xF;
	_ =	sdelay $0xc  }
0x2ba: {  	s15 =	spop (v2sf)  }
0x2bb: {  	s4 =	ssub.f32 $5.000000000e-01, s4;
	s30 =	spop (v2sf)  }
0x2bc: {  	s28 =	sadd.s32 $0x1, s28;
	s31 =	spop (v2sf)  }
0x2bd: {  	p0 =	sne.s32 s28, $0x40;
	v3 =	vmov s29;
	s2 =	sadd.f32 s30, s15;
	s4 =	smul.f32 s31, s4  }
.Ltmp3:
0x2be: {  	_ = 	snop;
	(pc) =	sbr.rel @p0 .LBB2_2-.Ltmp3, $3  }
0x2bf: {  	s2 =	sadd.f32 s4, s2;
	_ =	sdelay $0x1  }
0x2c0: {  	v63 =	vmov s2  }
0x2c1: {  	[tilespmem:v3+s25+$0x0] =	vst.idx.msk $0x1, v63  }
0x2c2: {  	s2 =	rddreg [dreg:$0x9];
	s4 =	simm.s32 $0x3  }
0x2c3: {  	[hbm4b:s2+s6] =	stream.linear.scatter [tilespmem:s25], [sflag:$0x3], $0x80, $0x38;
	[tilespmem:$0x18780] =	vst v63  }
0x2c4: {  	_ =	swait.ge [sflag:s4], $0x80  }
0x2c5: {  	s5 =	rddreg [dreg:$0xb]  }
0x2c6: {  	s31 =	rddreg [dreg:$0xa];
	s5 =	sadd.s32 $0x1, s5  }
0x2c7: {  	p0 =	sne.s32 s5, s31  }
.Ltmp4:
0x2c8: {  	_ = 	snop;
	(pc) =	sbr.rel @p0 .LBB2_1-.Ltmp4, $3  }
0x2c9: {  	_ =	sdelay $0x1  }
0x2ca: {  	[sflag:s4] =	ssyncset.done $0x0  }
0x2cb: {  	[sflag:s4] =	ssyncadd.s32 $0xFFFFFF80  }
0x2cc: {  	_ =	sfence.sel $0x180000  }
0x2cd: {  	[bflag:$0x0] =	sbarrier.arrive $0xFFFF  }
0x2ce: {  	_ =	strace $0x90000047  }
0x2cf: {  	s0 =	stileid.u32;
	[bflag:$0x2] =	sbarrier.arrive $0xFFFF  }
0x2d0: {  	p0 =	sne.s32 s0, $0x0;
	s0 =	rddreg [dreg:$0x6]  }
0x2d1: {  	s0 =	sadd.s32 @!p0 $0x100000, s0  }
0x2d2: {  	[sflag:s0] =	ssyncadd.tile.s32 @!p0 $0x1;
	_ =	shalt  }
.Lfunc_end2:
_tile_overlayer_lowered:
.L_overlay_start_2:
0x2d3: {  	(tag) =	ssettag $0x2  }
0x2d4: {  	s0 =	rddreg [dreg:$0x0];
	s2 =	stileid.u32  }
0x2d5: {  	s1 =	rddreg [dreg:$0x1];
	p0 =	sne.s32 s2, $0x0  }
0x2d6: {  	s3 =	rddreg [dreg:$0x2];
	[bflag:$0x3] =	sbarrier.arrive $0xFFFF;
	s2 =	simm.s32 @!p0 $0x1C03  }
0x2d7: {  	[timem:s3], [sflag:s2] =	dma.local @!p0 [hbm:s0], s1  }
0x2d8: {  	s0 =	simm.s32 @!p0 $0x3  }
0x2d9: {  	_ =	swait.ge @!p0 [sflag:s0], s1  }
0x2da: {  	s1 =	ssub.s32 @!p0 $0x0, s1;
	[sflag:s0] =	ssyncset.done @!p0 $0x0  }
0x2db: {  	[sflag:s0] =	ssyncadd.s32 @!p0 s1  }
0x2dc: {  	[bflag:$0x3] =	sbarrier.arrive $0xFFFF  }
0x2dd: {  	_ =	shalt  }

</sc_bundles>
